<compile_context>
chip_gen: v7x
topology: tpu7x:2x2x1
jax: 0.10.2.dev20260603
libtpu: 0.0.44.dev20260713+nightly
codegen_flags: <defaults>
</compile_context>

<pallas_src>
import functools

import jax
import jax.numpy as jnp
from jax import lax
from jax.experimental import pallas as pl
from jax.experimental.pallas import tpu as pltpu
from jax.experimental.pallas import tpu_sc as plsc

_D = 32
_OUT = 350
_NW = 32
_ROW = 128
_CH_ROWS = 16


@functools.partial(jax.jit, static_argnums=(2,))
def _gather(idx3, table, n_total):
    per_w = n_total // _NW
    jr = per_w // _ROW
    nch = jr // _CH_ROWS
    chunk = _CH_ROWS * _ROW

    mesh = plsc.VectorSubcoreMesh(core_axis_name="c", subcore_axis_name="s")

    @functools.partial(
        pl.kernel,
        mesh=mesh,
        out_type=jax.ShapeDtypeStruct((_NW, nch, chunk, _D), jnp.float32),
        scratch_types=[
            pltpu.VMEM((jr, _ROW), jnp.int32),
            pltpu.VMEM((chunk, _D), jnp.float32),
            pltpu.SemaphoreType.DMA,
        ],
        compiler_params=pltpu.CompilerParams(use_tc_tiling_on_sc=False),
    )
    def gather(idx_hbm, table_hbm, out_hbm, idx_v, rows_v, sem):
        wid = lax.axis_index("s") * 2 + lax.axis_index("c")
        pltpu.sync_copy(idx_hbm.at[wid], idx_v)

        def body(ch, carry):
            copies = []
            for t in range(_CH_ROWS):
                copies.append(
                    pltpu.async_copy(
                        table_hbm.at[idx_v.at[ch * _CH_ROWS + t]],
                        rows_v.at[pl.ds(t * _ROW, _ROW)],
                        sem,
                    )
                )
            for cp in copies:
                cp.wait()
            pltpu.sync_copy(rows_v, out_hbm.at[wid, ch])
            return carry

        lax.fori_loop(0, nch, body, 0)

    return gather(idx3, table)


def _mm_body(e_ref, w_ref, b_ref, o_ref):
    o_ref[...] = (
        jnp.dot(e_ref[...], w_ref[...], preferred_element_type=jnp.float32)
        + b_ref[...]
    )


_BLK = 2048


def _dense(emb, W, b2, n):
    return pl.pallas_call(
        _mm_body,
        grid=(n // _BLK,),
        in_specs=[
            pl.BlockSpec((_BLK, _D), lambda i: (i, 0)),
            pl.BlockSpec((_D, _OUT), lambda i: (0, 0)),
            pl.BlockSpec((1, _OUT), lambda i: (0, 0)),
        ],
        out_specs=pl.BlockSpec((_BLK, _OUT), lambda i: (i, 0)),
        out_shape=jax.ShapeDtypeStruct((n, _OUT), jnp.float32),
    )(emb, W, b2)


def kernel(inputs, table, W, b):
    B, L = inputs.shape
    n = B * L
    idx3 = inputs.reshape(_NW, n // _NW // _ROW, _ROW)
    emb = _gather(idx3, table, n).reshape(n, _D)
    out = _dense(emb, W, b.reshape(1, _OUT), n)
    return out.reshape(B, L, _OUT)

# --- scband reference (transcript-rebuilt; emitter-appended) ---
"""Pipeline reference for scband-model-11879879543720 (READ-ONLY COPY).

The authoritative reference and input builder live on the scoring server;
editing this copy changes nothing except your own understanding.
"""

import jax, jax.numpy as jnp
import numpy as np

VOCAB = 1000000
EMBED_DIM = 32
DENSE_OUT = 350
BATCH = 16384
HIST = 20


def setup_inputs(seed: int = 0) -> dict:
    key = jax.random.key(seed)
    k_idx, k_tab, k_w = jax.random.split(key, 3)
    inputs = jax.random.randint(k_idx, (BATCH, HIST), 0, VOCAB, dtype=jnp.int32)
    # GlorotNormal init for embedding table: std = sqrt(2 / (fan_in + fan_out))
    tab_std = float(np.sqrt(2.0 / (VOCAB + EMBED_DIM)))
    table = jax.random.normal(k_tab, (VOCAB, EMBED_DIM), dtype=jnp.float32) * tab_std
    # Dense layer params (glorot uniform default in keras)
    limit = float(np.sqrt(6.0 / (EMBED_DIM + DENSE_OUT)))
    W = jax.random.uniform(k_w, (EMBED_DIM, DENSE_OUT), dtype=jnp.float32, minval=-limit, maxval=limit)
    b = jnp.zeros((DENSE_OUT,), dtype=jnp.float32)
    return {"inputs": inputs, "table": table, "W": W, "b": b}


def reference(inputs, table, W, b):
    # Embed: tf.gather(embeddings, inputs)
    emb = jnp.take(table, inputs, axis=0)  # [B, L, embed_dim]
    # Dense(350)
    out = jnp.einsum('bld,do->blo', emb, W) + b
    return out

if __name__ == "__main__":
    import jax
    _d = setup_inputs()
    print(jax.jit(kernel)(*tuple(_d.values())))

</pallas_src>

<mosaic_0001>
#map = affine_map<(d0, d1) -> (0, 0, 0)>
#map1 = affine_map<(d0, d1) -> (0, 0)>
#map2 = affine_map<(d0, d1) -> (0, 0, 0, 0)>
module attributes {stable_mosaic.version = 14 : i64} {
  func.func @gather(%arg0: i32, %arg1: i32, %arg2: memref<32x80x128xi32, #tpu.memory_space<hbm>>, %arg3: memref<1000000x32xf32, #tpu.memory_space<hbm>>, %arg4: memref<32x5x2048x32xf32, #tpu.memory_space<hbm>>, %arg5: memref<80x128xi32, #tpu.memory_space<vmem>>, %arg6: memref<2048x32xf32, #tpu.memory_space<vmem>>, %arg7: memref<!tpu.dma_semaphore, #tpu.memory_space<semaphore_mem>>) attributes {dimension_semantics = [#tpu.dimension_semantics<core_parallel>, #tpu.dimension_semantics<subcore_parallel>], iteration_bounds = array<i64: 2, 16>, scalar_prefetch = 0 : i64, scratch_operands = 3 : i64, tpu.core_type = #tpu.core_type<sc_vector_subcore>, window_params = [{transform_indices = #map}, {transform_indices = #map1}, {transform_indices = #map2}]} {
    %mul3A = arith.constant 2 : i32
    %mul3A_0 = arith.muli %arg1, %mul3A : i32
    %add3A = arith.addi %mul3A_0, %arg0 : i32
    "tpu.region"() ({
      %run_scoped3A = tpu.sem_alloc : memref<!tpu.dma_semaphore, #tpu.memory_space<semaphore_mem>>
      %dma_start3A = arith.constant 0 : i32
      %dma_start3A_6 = arith.constant 0 : i32
      %dma_start3A_7 = tpu.memref_slice %arg2[%add3A, %dma_start3A, %dma_start3A_6] : memref<32x80x128xi32, #tpu.memory_space<hbm>> -> memref<1x80x128xi32, #tpu.memory_space<hbm>>
      %dma_start3A_8 = tpu.memref_squeeze %dma_start3A_7 : memref<1x80x128xi32, #tpu.memory_space<hbm>> -> memref<80x128xi32, #tpu.memory_space<hbm>>
      %dma_start3A_9 = arith.constant 0 : i32
      %dma_start3A_10 = arith.constant 0 : i32
      %dma_start3A_11 = tpu.memref_slice %arg2[%add3A, %dma_start3A_9, %dma_start3A_10] : memref<32x80x128xi32, #tpu.memory_space<hbm>> -> memref<1x80x128xi32, #tpu.memory_space<hbm>>
      %dma_start3A_12 = tpu.memref_squeeze %dma_start3A_11 : memref<1x80x128xi32, #tpu.memory_space<hbm>> -> memref<80x128xi32, #tpu.memory_space<hbm>>
      tpu.enqueue_dma source(%dma_start3A_12 : memref<80x128xi32, #tpu.memory_space<hbm>>) target(%arg5 : memref<80x128xi32, #tpu.memory_space<vmem>>) target_semaphore(%run_scoped3A : memref<!tpu.dma_semaphore, #tpu.memory_space<semaphore_mem>>)
      %dma_wait3A = arith.constant 0 : i32
      %dma_wait3A_13 = arith.constant 0 : i32
      %dma_wait3A_14 = tpu.memref_slice %arg2[%add3A, %dma_wait3A, %dma_wait3A_13] : memref<32x80x128xi32, #tpu.memory_space<hbm>> -> memref<1x80x128xi32, #tpu.memory_space<hbm>>
      %dma_wait3A_15 = tpu.memref_squeeze %dma_wait3A_14 : memref<1x80x128xi32, #tpu.memory_space<hbm>> -> memref<80x128xi32, #tpu.memory_space<hbm>>
      %dma_wait3A_16 = arith.constant 0 : i32
      %dma_wait3A_17 = arith.constant 0 : i32
      %dma_wait3A_18 = tpu.memref_slice %arg2[%add3A, %dma_wait3A_16, %dma_wait3A_17] : memref<32x80x128xi32, #tpu.memory_space<hbm>> -> memref<1x80x128xi32, #tpu.memory_space<hbm>>
      %dma_wait3A_19 = tpu.memref_squeeze %dma_wait3A_18 : memref<1x80x128xi32, #tpu.memory_space<hbm>> -> memref<80x128xi32, #tpu.memory_space<hbm>>
      tpu.wait_dma2 semaphore(%run_scoped3A : memref<!tpu.dma_semaphore, #tpu.memory_space<semaphore_mem>>) src(%dma_wait3A_19 : memref<80x128xi32, #tpu.memory_space<hbm>>) dst(%arg5 : memref<80x128xi32, #tpu.memory_space<vmem>>)
      tpu.yield
    }) : () -> ()
    %scan3A = arith.constant 0 : i32
    %scan3A_1 = arith.constant 0 : i32
    %scan3A_2 = arith.constant 5 : i32
    %scan3A_3 = arith.addi %scan3A_1, %scan3A_2 : i32
    %scan3A_4 = arith.constant 1 : i32
    scf.for %scan3A_6 = %scan3A_1 to %scan3A_3 step %scan3A_4  : i32 {
      %mul3A_7 = arith.constant 16 : i32
      %mul3A_8 = arith.muli %scan3A_6, %mul3A_7 : i32
      %add3A_9 = arith.constant 0 : i32
      %add3A_10 = arith.addi %mul3A_8, %add3A_9 : i32
      %dma_start3A = arith.constant 0 : i32
      %dma_start3A_11 = arith.constant 0 : i32
      %dma_start3A_12 = tpu.memref_slice %arg6[%dma_start3A, %dma_start3A_11] : memref<2048x32xf32, #tpu.memory_space<vmem>> -> memref<128x32xf32, #tpu.memory_space<vmem>>
      %dma_start3A_13 = arith.constant 0 : i32
      %dma_start3A_14 = tpu.memref_slice %arg5[%add3A_10, %dma_start3A_13] : memref<80x128xi32, #tpu.memory_space<vmem>> -> memref<1x128xi32, #tpu.memory_space<vmem>>
      %dma_start3A_15 = tpu.memref_squeeze %dma_start3A_14 : memref<1x128xi32, #tpu.memory_space<vmem>> -> memref<128xi32, #tpu.memory_space<vmem>>
      %dma_start3A_16 = arith.constant 0 : i32
      %dma_start3A_17 = arith.constant 0 : i32
      %dma_start3A_18 = tpu.memref_slice %arg3[%dma_start3A_16, %dma_start3A_17] : memref<1000000x32xf32, #tpu.memory_space<hbm>> -> memref<1000000x32xf32, #tpu.memory_space<hbm>>
      tpu.enqueue_indirect_dma source(%dma_start3A_18 : memref<1000000x32xf32, #tpu.memory_space<hbm>>) target(%dma_start3A_12 : memref<128x32xf32, #tpu.memory_space<vmem>>) offsets(%dma_start3A_15 : memref<128xi32, #tpu.memory_space<vmem>>) semaphore(%arg7 : memref<!tpu.dma_semaphore, #tpu.memory_space<semaphore_mem>>)
      %mul3A_19 = arith.constant 16 : i32
      %mul3A_20 = arith.muli %scan3A_6, %mul3A_19 : i32
      %add3A_21 = arith.constant 1 : i32
      %add3A_22 = arith.addi %mul3A_20, %add3A_21 : i32
      %dma_start3A_23 = arith.constant 128 : i32
      %dma_start3A_24 = arith.constant 0 : i32
      %dma_start3A_25 = tpu.memref_slice %arg6[%dma_start3A_23, %dma_start3A_24] : memref<2048x32xf32, #tpu.memory_space<vmem>> -> memref<128x32xf32, #tpu.memory_space<vmem>>
      %dma_start3A_26 = arith.constant 0 : i32
      %dma_start3A_27 = tpu.memref_slice %arg5[%add3A_22, %dma_start3A_26] : memref<80x128xi32, #tpu.memory_space<vmem>> -> memref<1x128xi32, #tpu.memory_space<vmem>>
      %dma_start3A_28 = tpu.memref_squeeze %dma_start3A_27 : memref<1x128xi32, #tpu.memory_space<vmem>> -> memref<128xi32, #tpu.memory_space<vmem>>
      %dma_start3A_29 = arith.constant 0 : i32
      %dma_start3A_30 = arith.constant 0 : i32
      %dma_start3A_31 = tpu.memref_slice %arg3[%dma_start3A_29, %dma_start3A_30] : memref<1000000x32xf32, #tpu.memory_space<hbm>> -> memref<1000000x32xf32, #tpu.memory_space<hbm>>
      tpu.enqueue_indirect_dma source(%dma_start3A_31 : memref<1000000x32xf32, #tpu.memory_space<hbm>>) target(%dma_start3A_25 : memref<128x32xf32, #tpu.memory_space<vmem>>) offsets(%dma_start3A_28 : memref<128xi32, #tpu.memory_space<vmem>>) semaphore(%arg7 : memref<!tpu.dma_semaphore, #tpu.memory_space<semaphore_mem>>)
      %mul3A_32 = arith.constant 16 : i32
      %mul3A_33 = arith.muli %scan3A_6, %mul3A_32 : i32
      %add3A_34 = arith.constant 2 : i32
      %add3A_35 = arith.addi %mul3A_33, %add3A_34 : i32
      %dma_start3A_36 = arith.constant 256 : i32
      %dma_start3A_37 = arith.constant 0 : i32
      %dma_start3A_38 = tpu.memref_slice %arg6[%dma_start3A_36, %dma_start3A_37] : memref<2048x32xf32, #tpu.memory_space<vmem>> -> memref<128x32xf32, #tpu.memory_space<vmem>>
      %dma_start3A_39 = arith.constant 0 : i32
      %dma_start3A_40 = tpu.memref_slice %arg5[%add3A_35, %dma_start3A_39] : memref<80x128xi32, #tpu.memory_space<vmem>> -> memref<1x128xi32, #tpu.memory_space<vmem>>
      %dma_start3A_41 = tpu.memref_squeeze %dma_start3A_40 : memref<1x128xi32, #tpu.memory_space<vmem>> -> memref<128xi32, #tpu.memory_space<vmem>>
      %dma_start3A_42 = arith.constant 0 : i32
      %dma_start3A_43 = arith.constant 0 : i32
      %dma_start3A_44 = tpu.memref_slice %arg3[%dma_start3A_42, %dma_start3A_43] : memref<1000000x32xf32, #tpu.memory_space<hbm>> -> memref<1000000x32xf32, #tpu.memory_space<hbm>>
      tpu.enqueue_indirect_dma source(%dma_start3A_44 : memref<1000000x32xf32, #tpu.memory_space<hbm>>) target(%dma_start3A_38 : memref<128x32xf32, #tpu.memory_space<vmem>>) offsets(%dma_start3A_41 : memref<128xi32, #tpu.memory_space<vmem>>) semaphore(%arg7 : memref<!tpu.dma_semaphore, #tpu.memory_space<semaphore_mem>>)
      %mul3A_45 = arith.constant 16 : i32
      %mul3A_46 = arith.muli %scan3A_6, %mul3A_45 : i32
      %add3A_47 = arith.constant 3 : i32
      %add3A_48 = arith.addi %mul3A_46, %add3A_47 : i32
      %dma_start3A_49 = arith.constant 384 : i32
      %dma_start3A_50 = arith.constant 0 : i32
      %dma_start3A_51 = tpu.memref_slice %arg6[%dma_start3A_49, %dma_start3A_50] : memref<2048x32xf32, #tpu.memory_space<vmem>> -> memref<128x32xf32, #tpu.memory_space<vmem>>
      %dma_start3A_52 = arith.constant 0 : i32
      %dma_start3A_53 = tpu.memref_slice %arg5[%add3A_48, %dma_start3A_52] : memref<80x128xi32, #tpu.memory_space<vmem>> -> memref<1x128xi32, #tpu.memory_space<vmem>>
      %dma_start3A_54 = tpu.memref_squeeze %dma_start3A_53 : memref<1x128xi32, #tpu.memory_space<vmem>> -> memref<128xi32, #tpu.memory_space<vmem>>
      %dma_start3A_55 = arith.constant 0 : i32
      %dma_start3A_56 = arith.constant 0 : i32
      %dma_start3A_57 = tpu.memref_slice %arg3[%dma_start3A_55, %dma_start3A_56] : memref<1000000x32xf32, #tpu.memory_space<hbm>> -> memref<1000000x32xf32, #tpu.memory_space<hbm>>
      tpu.enqueue_indirect_dma source(%dma_start3A_57 : memref<1000000x32xf32, #tpu.memory_space<hbm>>) target(%dma_start3A_51 : memref<128x32xf32, #tpu.memory_space<vmem>>) offsets(%dma_start3A_54 : memref<128xi32, #tpu.memory_space<vmem>>) semaphore(%arg7 : memref<!tpu.dma_semaphore, #tpu.memory_space<semaphore_mem>>)
      %mul3A_58 = arith.constant 16 : i32
      %mul3A_59 = arith.muli %scan3A_6, %mul3A_58 : i32
      %add3A_60 = arith.constant 4 : i32
      %add3A_61 = arith.addi %mul3A_59, %add3A_60 : i32
      %dma_start3A_62 = arith.constant 512 : i32
      %dma_start3A_63 = arith.constant 0 : i32
      %dma_start3A_64 = tpu.memref_slice %arg6[%dma_start3A_62, %dma_start3A_63] : memref<2048x32xf32, #tpu.memory_space<vmem>> -> memref<128x32xf32, #tpu.memory_space<vmem>>
      %dma_start3A_65 = arith.constant 0 : i32
      %dma_start3A_66 = tpu.memref_slice %arg5[%add3A_61, %dma_start3A_65] : memref<80x128xi32, #tpu.memory_space<vmem>> -> memref<1x128xi32, #tpu.memory_space<vmem>>
      %dma_start3A_67 = tpu.memref_squeeze %dma_start3A_66 : memref<1x128xi32, #tpu.memory_space<vmem>> -> memref<128xi32, #tpu.memory_space<vmem>>
      %dma_start3A_68 = arith.constant 0 : i32
      %dma_start3A_69 = arith.constant 0 : i32
      %dma_start3A_70 = tpu.memref_slice %arg3[%dma_start3A_68, %dma_start3A_69] : memref<1000000x32xf32, #tpu.memory_space<hbm>> -> memref<1000000x32xf32, #tpu.memory_space<hbm>>
      tpu.enqueue_indirect_dma source(%dma_start3A_70 : memref<1000000x32xf32, #tpu.memory_space<hbm>>) target(%dma_start3A_64 : memref<128x32xf32, #tpu.memory_space<vmem>>) offsets(%dma_start3A_67 : memref<128xi32, #tpu.memory_space<vmem>>) semaphore(%arg7 : memref<!tpu.dma_semaphore, #tpu.memory_space<semaphore_mem>>)
      %mul3A_71 = arith.constant 16 : i32
      %mul3A_72 = arith.muli %scan3A_6, %mul3A_71 : i32
      %add3A_73 = arith.constant 5 : i32
      %add3A_74 = arith.addi %mul3A_72, %add3A_73 : i32
      %dma_start3A_75 = arith.constant 640 : i32
      %dma_start3A_76 = arith.constant 0 : i32
      %dma_start3A_77 = tpu.memref_slice %arg6[%dma_start3A_75, %dma_start3A_76] : memref<2048x32xf32, #tpu.memory_space<vmem>> -> memref<128x32xf32, #tpu.memory_space<vmem>>
      %dma_start3A_78 = arith.constant 0 : i32
      %dma_start3A_79 = tpu.memref_slice %arg5[%add3A_74, %dma_start3A_78] : memref<80x128xi32, #tpu.memory_space<vmem>> -> memref<1x128xi32, #tpu.memory_space<vmem>>
      %dma_start3A_80 = tpu.memref_squeeze %dma_start3A_79 : memref<1x128xi32, #tpu.memory_space<vmem>> -> memref<128xi32, #tpu.memory_space<vmem>>
      %dma_start3A_81 = arith.constant 0 : i32
      %dma_start3A_82 = arith.constant 0 : i32
      %dma_start3A_83 = tpu.memref_slice %arg3[%dma_start3A_81, %dma_start3A_82] : memref<1000000x32xf32, #tpu.memory_space<hbm>> -> memref<1000000x32xf32, #tpu.memory_space<hbm>>
      tpu.enqueue_indirect_dma source(%dma_start3A_83 : memref<1000000x32xf32, #tpu.memory_space<hbm>>) target(%dma_start3A_77 : memref<128x32xf32, #tpu.memory_space<vmem>>) offsets(%dma_start3A_80 : memref<128xi32, #tpu.memory_space<vmem>>) semaphore(%arg7 : memref<!tpu.dma_semaphore, #tpu.memory_space<semaphore_mem>>)
      %mul3A_84 = arith.constant 16 : i32
      %mul3A_85 = arith.muli %scan3A_6, %mul3A_84 : i32
      %add3A_86 = arith.constant 6 : i32
      %add3A_87 = arith.addi %mul3A_85, %add3A_86 : i32
      %dma_start3A_88 = arith.constant 768 : i32
      %dma_start3A_89 = arith.constant 0 : i32
      %dma_start3A_90 = tpu.memref_slice %arg6[%dma_start3A_88, %dma_start3A_89] : memref<2048x32xf32, #tpu.memory_space<vmem>> -> memref<128x32xf32, #tpu.memory_space<vmem>>
      %dma_start3A_91 = arith.constant 0 : i32
      %dma_start3A_92 = tpu.memref_slice %arg5[%add3A_87, %dma_start3A_91] : memref<80x128xi32, #tpu.memory_space<vmem>> -> memref<1x128xi32, #tpu.memory_space<vmem>>
      %dma_start3A_93 = tpu.memref_squeeze %dma_start3A_92 : memref<1x128xi32, #tpu.memory_space<vmem>> -> memref<128xi32, #tpu.memory_space<vmem>>
      %dma_start3A_94 = arith.constant 0 : i32
      %dma_start3A_95 = arith.constant 0 : i32
      %dma_start3A_96 = tpu.memref_slice %arg3[%dma_start3A_94, %dma_start3A_95] : memref<1000000x32xf32, #tpu.memory_space<hbm>> -> memref<1000000x32xf32, #tpu.memory_space<hbm>>
      tpu.enqueue_indirect_dma source(%dma_start3A_96 : memref<1000000x32xf32, #tpu.memory_space<hbm>>) target(%dma_start3A_90 : memref<128x32xf32, #tpu.memory_space<vmem>>) offsets(%dma_start3A_93 : memref<128xi32, #tpu.memory_space<vmem>>) semaphore(%arg7 : memref<!tpu.dma_semaphore, #tpu.memory_space<semaphore_mem>>)
      %mul3A_97 = arith.constant 16 : i32
      %mul3A_98 = arith.muli %scan3A_6, %mul3A_97 : i32
      %add3A_99 = arith.constant 7 : i32
      %add3A_100 = arith.addi %mul3A_98, %add3A_99 : i32
      %dma_start3A_101 = arith.constant 896 : i32
      %dma_start3A_102 = arith.constant 0 : i32
      %dma_start3A_103 = tpu.memref_slice %arg6[%dma_start3A_101, %dma_start3A_102] : memref<2048x32xf32, #tpu.memory_space<vmem>> -> memref<128x32xf32, #tpu.memory_space<vmem>>
      %dma_start3A_104 = arith.constant 0 : i32
      %dma_start3A_105 = tpu.memref_slice %arg5[%add3A_100, %dma_start3A_104] : memref<80x128xi32, #tpu.memory_space<vmem>> -> memref<1x128xi32, #tpu.memory_space<vmem>>
      %dma_start3A_106 = tpu.memref_squeeze %dma_start3A_105 : memref<1x128xi32, #tpu.memory_space<vmem>> -> memref<128xi32, #tpu.memory_space<vmem>>
      %dma_start3A_107 = arith.constant 0 : i32
      %dma_start3A_108 = arith.constant 0 : i32
      %dma_start3A_109 = tpu.memref_slice %arg3[%dma_start3A_107, %dma_start3A_108] : memref<1000000x32xf32, #tpu.memory_space<hbm>> -> memref<1000000x32xf32, #tpu.memory_space<hbm>>
      tpu.enqueue_indirect_dma source(%dma_start3A_109 : memref<1000000x32xf32, #tpu.memory_space<hbm>>) target(%dma_start3A_103 : memref<128x32xf32, #tpu.memory_space<vmem>>) offsets(%dma_start3A_106 : memref<128xi32, #tpu.memory_space<vmem>>) semaphore(%arg7 : memref<!tpu.dma_semaphore, #tpu.memory_space<semaphore_mem>>)
      %mul3A_110 = arith.constant 16 : i32
      %mul3A_111 = arith.muli %scan3A_6, %mul3A_110 : i32
      %add3A_112 = arith.constant 8 : i32
      %add3A_113 = arith.addi %mul3A_111, %add3A_112 : i32
      %dma_start3A_114 = arith.constant 1024 : i32
      %dma_start3A_115 = arith.constant 0 : i32
      %dma_start3A_116 = tpu.memref_slice %arg6[%dma_start3A_114, %dma_start3A_115] : memref<2048x32xf32, #tpu.memory_space<vmem>> -> memref<128x32xf32, #tpu.memory_space<vmem>>
      %dma_start3A_117 = arith.constant 0 : i32
      %dma_start3A_118 = tpu.memref_slice %arg5[%add3A_113, %dma_start3A_117] : memref<80x128xi32, #tpu.memory_space<vmem>> -> memref<1x128xi32, #tpu.memory_space<vmem>>
      %dma_start3A_119 = tpu.memref_squeeze %dma_start3A_118 : memref<1x128xi32, #tpu.memory_space<vmem>> -> memref<128xi32, #tpu.memory_space<vmem>>
      %dma_start3A_120 = arith.constant 0 : i32
      %dma_start3A_121 = arith.constant 0 : i32
      %dma_start3A_122 = tpu.memref_slice %arg3[%dma_start3A_120, %dma_start3A_121] : memref<1000000x32xf32, #tpu.memory_space<hbm>> -> memref<1000000x32xf32, #tpu.memory_space<hbm>>
      tpu.enqueue_indirect_dma source(%dma_start3A_122 : memref<1000000x32xf32, #tpu.memory_space<hbm>>) target(%dma_start3A_116 : memref<128x32xf32, #tpu.memory_space<vmem>>) offsets(%dma_start3A_119 : memref<128xi32, #tpu.memory_space<vmem>>) semaphore(%arg7 : memref<!tpu.dma_semaphore, #tpu.memory_space<semaphore_mem>>)
      %mul3A_123 = arith.constant 16 : i32
      %mul3A_124 = arith.muli %scan3A_6, %mul3A_123 : i32
      %add3A_125 = arith.constant 9 : i32
      %add3A_126 = arith.addi %mul3A_124, %add3A_125 : i32
      %dma_start3A_127 = arith.constant 1152 : i32
      %dma_start3A_128 = arith.constant 0 : i32
      %dma_start3A_129 = tpu.memref_slice %arg6[%dma_start3A_127, %dma_start3A_128] : memref<2048x32xf32, #tpu.memory_space<vmem>> -> memref<128x32xf32, #tpu.memory_space<vmem>>
      %dma_start3A_130 = arith.constant 0 : i32
      %dma_start3A_131 = tpu.memref_slice %arg5[%add3A_126, %dma_start3A_130] : memref<80x128xi32, #tpu.memory_space<vmem>> -> memref<1x128xi32, #tpu.memory_space<vmem>>
      %dma_start3A_132 = tpu.memref_squeeze %dma_start3A_131 : memref<1x128xi32, #tpu.memory_space<vmem>> -> memref<128xi32, #tpu.memory_space<vmem>>
      %dma_start3A_133 = arith.constant 0 : i32
      %dma_start3A_134 = arith.constant 0 : i32
      %dma_start3A_135 = tpu.memref_slice %arg3[%dma_start3A_133, %dma_start3A_134] : memref<1000000x32xf32, #tpu.memory_space<hbm>> -> memref<1000000x32xf32, #tpu.memory_space<hbm>>
      tpu.enqueue_indirect_dma source(%dma_start3A_135 : memref<1000000x32xf32, #tpu.memory_space<hbm>>) target(%dma_start3A_129 : memref<128x32xf32, #tpu.memory_space<vmem>>) offsets(%dma_start3A_132 : memref<128xi32, #tpu.memory_space<vmem>>) semaphore(%arg7 : memref<!tpu.dma_semaphore, #tpu.memory_space<semaphore_mem>>)
      %mul3A_136 = arith.constant 16 : i32
      %mul3A_137 = arith.muli %scan3A_6, %mul3A_136 : i32
      %add3A_138 = arith.constant 10 : i32
      %add3A_139 = arith.addi %mul3A_137, %add3A_138 : i32
      %dma_start3A_140 = arith.constant 1280 : i32
      %dma_start3A_141 = arith.constant 0 : i32
      %dma_start3A_142 = tpu.memref_slice %arg6[%dma_start3A_140, %dma_start3A_141] : memref<2048x32xf32, #tpu.memory_space<vmem>> -> memref<128x32xf32, #tpu.memory_space<vmem>>
      %dma_start3A_143 = arith.constant 0 : i32
      %dma_start3A_144 = tpu.memref_slice %arg5[%add3A_139, %dma_start3A_143] : memref<80x128xi32, #tpu.memory_space<vmem>> -> memref<1x128xi32, #tpu.memory_space<vmem>>
      %dma_start3A_145 = tpu.memref_squeeze %dma_start3A_144 : memref<1x128xi32, #tpu.memory_space<vmem>> -> memref<128xi32, #tpu.memory_space<vmem>>
      %dma_start3A_146 = arith.constant 0 : i32
      %dma_start3A_147 = arith.constant 0 : i32
      %dma_start3A_148 = tpu.memref_slice %arg3[%dma_start3A_146, %dma_start3A_147] : memref<1000000x32xf32, #tpu.memory_space<hbm>> -> memref<1000000x32xf32, #tpu.memory_space<hbm>>
      tpu.enqueue_indirect_dma source(%dma_start3A_148 : memref<1000000x32xf32, #tpu.memory_space<hbm>>) target(%dma_start3A_142 : memref<128x32xf32, #tpu.memory_space<vmem>>) offsets(%dma_start3A_145 : memref<128xi32, #tpu.memory_space<vmem>>) semaphore(%arg7 : memref<!tpu.dma_semaphore, #tpu.memory_space<semaphore_mem>>)
      %mul3A_149 = arith.constant 16 : i32
      %mul3A_150 = arith.muli %scan3A_6, %mul3A_149 : i32
      %add3A_151 = arith.constant 11 : i32
      %add3A_152 = arith.addi %mul3A_150, %add3A_151 : i32
      %dma_start3A_153 = arith.constant 1408 : i32
      %dma_start3A_154 = arith.constant 0 : i32
      %dma_start3A_155 = tpu.memref_slice %arg6[%dma_start3A_153, %dma_start3A_154] : memref<2048x32xf32, #tpu.memory_space<vmem>> -> memref<128x32xf32, #tpu.memory_space<vmem>>
      %dma_start3A_156 = arith.constant 0 : i32
      %dma_start3A_157 = tpu.memref_slice %arg5[%add3A_152, %dma_start3A_156] : memref<80x128xi32, #tpu.memory_space<vmem>> -> memref<1x128xi32, #tpu.memory_space<vmem>>
      %dma_start3A_158 = tpu.memref_squeeze %dma_start3A_157 : memref<1x128xi32, #tpu.memory_space<vmem>> -> memref<128xi32, #tpu.memory_space<vmem>>
      %dma_start3A_159 = arith.constant 0 : i32
      %dma_start3A_160 = arith.constant 0 : i32
      %dma_start3A_161 = tpu.memref_slice %arg3[%dma_start3A_159, %dma_start3A_160] : memref<1000000x32xf32, #tpu.memory_space<hbm>> -> memref<1000000x32xf32, #tpu.memory_space<hbm>>
      tpu.enqueue_indirect_dma source(%dma_start3A_161 : memref<1000000x32xf32, #tpu.memory_space<hbm>>) target(%dma_start3A_155 : memref<128x32xf32, #tpu.memory_space<vmem>>) offsets(%dma_start3A_158 : memref<128xi32, #tpu.memory_space<vmem>>) semaphore(%arg7 : memref<!tpu.dma_semaphore, #tpu.memory_space<semaphore_mem>>)
      %mul3A_162 = arith.constant 16 : i32
      %mul3A_163 = arith.muli %scan3A_6, %mul3A_162 : i32
      %add3A_164 = arith.constant 12 : i32
      %add3A_165 = arith.addi %mul3A_163, %add3A_164 : i32
      %dma_start3A_166 = arith.constant 1536 : i32
      %dma_start3A_167 = arith.constant 0 : i32
      %dma_start3A_168 = tpu.memref_slice %arg6[%dma_start3A_166, %dma_start3A_167] : memref<2048x32xf32, #tpu.memory_space<vmem>> -> memref<128x32xf32, #tpu.memory_space<vmem>>
      %dma_start3A_169 = arith.constant 0 : i32
      %dma_start3A_170 = tpu.memref_slice %arg5[%add3A_165, %dma_start3A_169] : memref<80x128xi32, #tpu.memory_space<vmem>> -> memref<1x128xi32, #tpu.memory_space<vmem>>
      %dma_start3A_171 = tpu.memref_squeeze %dma_start3A_170 : memref<1x128xi32, #tpu.memory_space<vmem>> -> memref<128xi32, #tpu.memory_space<vmem>>
      %dma_start3A_172 = arith.constant 0 : i32
      %dma_start3A_173 = arith.constant 0 : i32
      %dma_start3A_174 = tpu.memref_slice %arg3[%dma_start3A_172, %dma_start3A_173] : memref<1000000x32xf32, #tpu.memory_space<hbm>> -> memref<1000000x32xf32, #tpu.memory_space<hbm>>
      tpu.enqueue_indirect_dma source(%dma_start3A_174 : memref<1000000x32xf32, #tpu.memory_space<hbm>>) target(%dma_start3A_168 : memref<128x32xf32, #tpu.memory_space<vmem>>) offsets(%dma_start3A_171 : memref<128xi32, #tpu.memory_space<vmem>>) semaphore(%arg7 : memref<!tpu.dma_semaphore, #tpu.memory_space<semaphore_mem>>)
      %mul3A_175 = arith.constant 16 : i32
      %mul3A_176 = arith.muli %scan3A_6, %mul3A_175 : i32
      %add3A_177 = arith.constant 13 : i32
      %add3A_178 = arith.addi %mul3A_176, %add3A_177 : i32
      %dma_start3A_179 = arith.constant 1664 : i32
      %dma_start3A_180 = arith.constant 0 : i32
      %dma_start3A_181 = tpu.memref_slice %arg6[%dma_start3A_179, %dma_start3A_180] : memref<2048x32xf32, #tpu.memory_space<vmem>> -> memref<128x32xf32, #tpu.memory_space<vmem>>
      %dma_start3A_182 = arith.constant 0 : i32
      %dma_start3A_183 = tpu.memref_slice %arg5[%add3A_178, %dma_start3A_182] : memref<80x128xi32, #tpu.memory_space<vmem>> -> memref<1x128xi32, #tpu.memory_space<vmem>>
      %dma_start3A_184 = tpu.memref_squeeze %dma_start3A_183 : memref<1x128xi32, #tpu.memory_space<vmem>> -> memref<128xi32, #tpu.memory_space<vmem>>
      %dma_start3A_185 = arith.constant 0 : i32
      %dma_start3A_186 = arith.constant 0 : i32
      %dma_start3A_187 = tpu.memref_slice %arg3[%dma_start3A_185, %dma_start3A_186] : memref<1000000x32xf32, #tpu.memory_space<hbm>> -> memref<1000000x32xf32, #tpu.memory_space<hbm>>
      tpu.enqueue_indirect_dma source(%dma_start3A_187 : memref<1000000x32xf32, #tpu.memory_space<hbm>>) target(%dma_start3A_181 : memref<128x32xf32, #tpu.memory_space<vmem>>) offsets(%dma_start3A_184 : memref<128xi32, #tpu.memory_space<vmem>>) semaphore(%arg7 : memref<!tpu.dma_semaphore, #tpu.memory_space<semaphore_mem>>)
      %mul3A_188 = arith.constant 16 : i32
      %mul3A_189 = arith.muli %scan3A_6, %mul3A_188 : i32
      %add3A_190 = arith.constant 14 : i32
      %add3A_191 = arith.addi %mul3A_189, %add3A_190 : i32
      %dma_start3A_192 = arith.constant 1792 : i32
      %dma_start3A_193 = arith.constant 0 : i32
      %dma_start3A_194 = tpu.memref_slice %arg6[%dma_start3A_192, %dma_start3A_193] : memref<2048x32xf32, #tpu.memory_space<vmem>> -> memref<128x32xf32, #tpu.memory_space<vmem>>
      %dma_start3A_195 = arith.constant 0 : i32
      %dma_start3A_196 = tpu.memref_slice %arg5[%add3A_191, %dma_start3A_195] : memref<80x128xi32, #tpu.memory_space<vmem>> -> memref<1x128xi32, #tpu.memory_space<vmem>>
      %dma_start3A_197 = tpu.memref_squeeze %dma_start3A_196 : memref<1x128xi32, #tpu.memory_space<vmem>> -> memref<128xi32, #tpu.memory_space<vmem>>
      %dma_start3A_198 = arith.constant 0 : i32
      %dma_start3A_199 = arith.constant 0 : i32
      %dma_start3A_200 = tpu.memref_slice %arg3[%dma_start3A_198, %dma_start3A_199] : memref<1000000x32xf32, #tpu.memory_space<hbm>> -> memref<1000000x32xf32, #tpu.memory_space<hbm>>
      tpu.enqueue_indirect_dma source(%dma_start3A_200 : memref<1000000x32xf32, #tpu.memory_space<hbm>>) target(%dma_start3A_194 : memref<128x32xf32, #tpu.memory_space<vmem>>) offsets(%dma_start3A_197 : memref<128xi32, #tpu.memory_space<vmem>>) semaphore(%arg7 : memref<!tpu.dma_semaphore, #tpu.memory_space<semaphore_mem>>)
      %mul3A_201 = arith.constant 16 : i32
      %mul3A_202 = arith.muli %scan3A_6, %mul3A_201 : i32
      %add3A_203 = arith.constant 15 : i32
      %add3A_204 = arith.addi %mul3A_202, %add3A_203 : i32
      %dma_start3A_205 = arith.constant 1920 : i32
      %dma_start3A_206 = arith.constant 0 : i32
      %dma_start3A_207 = tpu.memref_slice %arg6[%dma_start3A_205, %dma_start3A_206] : memref<2048x32xf32, #tpu.memory_space<vmem>> -> memref<128x32xf32, #tpu.memory_space<vmem>>
      %dma_start3A_208 = arith.constant 0 : i32
      %dma_start3A_209 = tpu.memref_slice %arg5[%add3A_204, %dma_start3A_208] : memref<80x128xi32, #tpu.memory_space<vmem>> -> memref<1x128xi32, #tpu.memory_space<vmem>>
      %dma_start3A_210 = tpu.memref_squeeze %dma_start3A_209 : memref<1x128xi32, #tpu.memory_space<vmem>> -> memref<128xi32, #tpu.memory_space<vmem>>
      %dma_start3A_211 = arith.constant 0 : i32
      %dma_start3A_212 = arith.constant 0 : i32
      %dma_start3A_213 = tpu.memref_slice %arg3[%dma_start3A_211, %dma_start3A_212] : memref<1000000x32xf32, #tpu.memory_space<hbm>> -> memref<1000000x32xf32, #tpu.memory_space<hbm>>
      tpu.enqueue_indirect_dma source(%dma_start3A_213 : memref<1000000x32xf32, #tpu.memory_space<hbm>>) target(%dma_start3A_207 : memref<128x32xf32, #tpu.memory_space<vmem>>) offsets(%dma_start3A_210 : memref<128xi32, #tpu.memory_space<vmem>>) semaphore(%arg7 : memref<!tpu.dma_semaphore, #tpu.memory_space<semaphore_mem>>)
      %dma_wait3A = arith.constant 0 : i32
      %dma_wait3A_214 = arith.constant 0 : i32
      %dma_wait3A_215 = tpu.memref_slice %arg6[%dma_wait3A, %dma_wait3A_214] : memref<2048x32xf32, #tpu.memory_space<vmem>> -> memref<128x32xf32, #tpu.memory_space<vmem>>
      %dma_wait3A_216 = arith.constant 0 : i32
      %dma_wait3A_217 = tpu.memref_slice %arg5[%add3A_10, %dma_wait3A_216] : memref<80x128xi32, #tpu.memory_space<vmem>> -> memref<1x128xi32, #tpu.memory_space<vmem>>
      %dma_wait3A_218 = tpu.memref_squeeze %dma_wait3A_217 : memref<1x128xi32, #tpu.memory_space<vmem>> -> memref<128xi32, #tpu.memory_space<vmem>>
      %dma_wait3A_219 = arith.constant 0 : i32
      %dma_wait3A_220 = arith.constant 0 : i32
      %dma_wait3A_221 = tpu.memref_slice %arg3[%dma_wait3A_219, %dma_wait3A_220] : memref<1000000x32xf32, #tpu.memory_space<hbm>> -> memref<1000000x32xf32, #tpu.memory_space<hbm>>
      tpu.wait_indirect_dma semaphore(%arg7 : memref<!tpu.dma_semaphore, #tpu.memory_space<semaphore_mem>>) src(%dma_wait3A_221 : memref<1000000x32xf32, #tpu.memory_space<hbm>>) dst(%dma_wait3A_215 : memref<128x32xf32, #tpu.memory_space<vmem>>)
      %dma_wait3A_222 = arith.constant 128 : i32
      %dma_wait3A_223 = arith.constant 0 : i32
      %dma_wait3A_224 = tpu.memref_slice %arg6[%dma_wait3A_222, %dma_wait3A_223] : memref<2048x32xf32, #tpu.memory_space<vmem>> -> memref<128x32xf32, #tpu.memory_space<vmem>>
      %dma_wait3A_225 = arith.constant 0 : i32
      %dma_wait3A_226 = tpu.memref_slice %arg5[%add3A_22, %dma_wait3A_225] : memref<80x128xi32, #tpu.memory_space<vmem>> -> memref<1x128xi32, #tpu.memory_space<vmem>>
      %dma_wait3A_227 = tpu.memref_squeeze %dma_wait3A_226 : memref<1x128xi32, #tpu.memory_space<vmem>> -> memref<128xi32, #tpu.memory_space<vmem>>
      %dma_wait3A_228 = arith.constant 0 : i32
      %dma_wait3A_229 = arith.constant 0 : i32
      %dma_wait3A_230 = tpu.memref_slice %arg3[%dma_wait3A_228, %dma_wait3A_229] : memref<1000000x32xf32, #tpu.memory_space<hbm>> -> memref<1000000x32xf32, #tpu.memory_space<hbm>>
      tpu.wait_indirect_dma semaphore(%arg7 : memref<!tpu.dma_semaphore, #tpu.memory_space<semaphore_mem>>) src(%dma_wait3A_230 : memref<1000000x32xf32, #tpu.memory_space<hbm>>) dst(%dma_wait3A_224 : memref<128x32xf32, #tpu.memory_space<vmem>>)
      %dma_wait3A_231 = arith.constant 256 : i32
      %dma_wait3A_232 = arith.constant 0 : i32
      %dma_wait3A_233 = tpu.memref_slice %arg6[%dma_wait3A_231, %dma_wait3A_232] : memref<2048x32xf32, #tpu.memory_space<vmem>> -> memref<128x32xf32, #tpu.memory_space<vmem>>
      %dma_wait3A_234 = arith.constant 0 : i32
      %dma_wait3A_235 = tpu.memref_slice %arg5[%add3A_35, %dma_wait3A_234] : memref<80x128xi32, #tpu.memory_space<vmem>> -> memref<1x128xi32, #tpu.memory_space<vmem>>
      %dma_wait3A_236 = tpu.memref_squeeze %dma_wait3A_235 : memref<1x128xi32, #tpu.memory_space<vmem>> -> memref<128xi32, #tpu.memory_space<vmem>>
      %dma_wait3A_237 = arith.constant 0 : i32
      %dma_wait3A_238 = arith.constant 0 : i32
      %dma_wait3A_239 = tpu.memref_slice %arg3[%dma_wait3A_237, %dma_wait3A_238] : memref<1000000x32xf32, #tpu.memory_space<hbm>> -> memref<1000000x32xf32, #tpu.memory_space<hbm>>
      tpu.wait_indirect_dma semaphore(%arg7 : memref<!tpu.dma_semaphore, #tpu.memory_space<semaphore_mem>>) src(%dma_wait3A_239 : memref<1000000x32xf32, #tpu.memory_space<hbm>>) dst(%dma_wait3A_233 : memref<128x32xf32, #tpu.memory_space<vmem>>)
      %dma_wait3A_240 = arith.constant 384 : i32
      %dma_wait3A_241 = arith.constant 0 : i32
      %dma_wait3A_242 = tpu.memref_slice %arg6[%dma_wait3A_240, %dma_wait3A_241] : memref<2048x32xf32, #tpu.memory_space<vmem>> -> memref<128x32xf32, #tpu.memory_space<vmem>>
      %dma_wait3A_243 = arith.constant 0 : i32
      %dma_wait3A_244 = tpu.memref_slice %arg5[%add3A_48, %dma_wait3A_243] : memref<80x128xi32, #tpu.memory_space<vmem>> -> memref<1x128xi32, #tpu.memory_space<vmem>>
      %dma_wait3A_245 = tpu.memref_squeeze %dma_wait3A_244 : memref<1x128xi32, #tpu.memory_space<vmem>> -> memref<128xi32, #tpu.memory_space<vmem>>
      %dma_wait3A_246 = arith.constant 0 : i32
      %dma_wait3A_247 = arith.constant 0 : i32
      %dma_wait3A_248 = tpu.memref_slice %arg3[%dma_wait3A_246, %dma_wait3A_247] : memref<1000000x32xf32, #tpu.memory_space<hbm>> -> memref<1000000x32xf32, #tpu.memory_space<hbm>>
      tpu.wait_indirect_dma semaphore(%arg7 : memref<!tpu.dma_semaphore, #tpu.memory_space<semaphore_mem>>) src(%dma_wait3A_248 : memref<1000000x32xf32, #tpu.memory_space<hbm>>) dst(%dma_wait3A_242 : memref<128x32xf32, #tpu.memory_space<vmem>>)
      %dma_wait3A_249 = arith.constant 512 : i32
      %dma_wait3A_250 = arith.constant 0 : i32
      %dma_wait3A_251 = tpu.memref_slice %arg6[%dma_wait3A_249, %dma_wait3A_250] : memref<2048x32xf32, #tpu.memory_space<vmem>> -> memref<128x32xf32, #tpu.memory_space<vmem>>
      %dma_wait3A_252 = arith.constant 0 : i32
      %dma_wait3A_253 = tpu.memref_slice %arg5[%add3A_61, %dma_wait3A_252] : memref<80x128xi32, #tpu.memory_space<vmem>> -> memref<1x128xi32, #tpu.memory_space<vmem>>
      %dma_wait3A_254 = tpu.memref_squeeze %dma_wait3A_253 : memref<1x128xi32, #tpu.memory_space<vmem>> -> memref<128xi32, #tpu.memory_space<vmem>>
      %dma_wait3A_255 = arith.constant 0 : i32
      %dma_wait3A_256 = arith.constant 0 : i32
      %dma_wait3A_257 = tpu.memref_slice %arg3[%dma_wait3A_255, %dma_wait3A_256] : memref<1000000x32xf32, #tpu.memory_space<hbm>> -> memref<1000000x32xf32, #tpu.memory_space<hbm>>
      tpu.wait_indirect_dma semaphore(%arg7 : memref<!tpu.dma_semaphore, #tpu.memory_space<semaphore_mem>>) src(%dma_wait3A_257 : memref<1000000x32xf32, #tpu.memory_space<hbm>>) dst(%dma_wait3A_251 : memref<128x32xf32, #tpu.memory_space<vmem>>)
      %dma_wait3A_258 = arith.constant 640 : i32
      %dma_wait3A_259 = arith.constant 0 : i32
      %dma_wait3A_260 = tpu.memref_slice %arg6[%dma_wait3A_258, %dma_wait3A_259] : memref<2048x32xf32, #tpu.memory_space<vmem>> -> memref<128x32xf32, #tpu.memory_space<vmem>>
      %dma_wait3A_261 = arith.constant 0 : i32
      %dma_wait3A_262 = tpu.memref_slice %arg5[%add3A_74, %dma_wait3A_261] : memref<80x128xi32, #tpu.memory_space<vmem>> -> memref<1x128xi32, #tpu.memory_space<vmem>>
      %dma_wait3A_263 = tpu.memref_squeeze %dma_wait3A_262 : memref<1x128xi32, #tpu.memory_space<vmem>> -> memref<128xi32, #tpu.memory_space<vmem>>
      %dma_wait3A_264 = arith.constant 0 : i32
      %dma_wait3A_265 = arith.constant 0 : i32
      %dma_wait3A_266 = tpu.memref_slice %arg3[%dma_wait3A_264, %dma_wait3A_265] : memref<1000000x32xf32, #tpu.memory_space<hbm>> -> memref<1000000x32xf32, #tpu.memory_space<hbm>>
      tpu.wait_indirect_dma semaphore(%arg7 : memref<!tpu.dma_semaphore, #tpu.memory_space<semaphore_mem>>) src(%dma_wait3A_266 : memref<1000000x32xf32, #tpu.memory_space<hbm>>) dst(%dma_wait3A_260 : memref<128x32xf32, #tpu.memory_space<vmem>>)
      %dma_wait3A_267 = arith.constant 768 : i32
      %dma_wait3A_268 = arith.constant 0 : i32
      %dma_wait3A_269 = tpu.memref_slice %arg6[%dma_wait3A_267, %dma_wait3A_268] : memref<2048x32xf32, #tpu.memory_space<vmem>> -> memref<128x32xf32, #tpu.memory_space<vmem>>
      %dma_wait3A_270 = arith.constant 0 : i32
      %dma_wait3A_271 = tpu.memref_slice %arg5[%add3A_87, %dma_wait3A_270] : memref<80x128xi32, #tpu.memory_space<vmem>> -> memref<1x128xi32, #tpu.memory_space<vmem>>
      %dma_wait3A_272 = tpu.memref_squeeze %dma_wait3A_271 : memref<1x128xi32, #tpu.memory_space<vmem>> -> memref<128xi32, #tpu.memory_space<vmem>>
      %dma_wait3A_273 = arith.constant 0 : i32
      %dma_wait3A_274 = arith.constant 0 : i32
      %dma_wait3A_275 = tpu.memref_slice %arg3[%dma_wait3A_273, %dma_wait3A_274] : memref<1000000x32xf32, #tpu.memory_space<hbm>> -> memref<1000000x32xf32, #tpu.memory_space<hbm>>
      tpu.wait_indirect_dma semaphore(%arg7 : memref<!tpu.dma_semaphore, #tpu.memory_space<semaphore_mem>>) src(%dma_wait3A_275 : memref<1000000x32xf32, #tpu.memory_space<hbm>>) dst(%dma_wait3A_269 : memref<128x32xf32, #tpu.memory_space<vmem>>)
      %dma_wait3A_276 = arith.constant 896 : i32
      %dma_wait3A_277 = arith.constant 0 : i32
      %dma_wait3A_278 = tpu.memref_slice %arg6[%dma_wait3A_276, %dma_wait3A_277] : memref<2048x32xf32, #tpu.memory_space<vmem>> -> memref<128x32xf32, #tpu.memory_space<vmem>>
      %dma_wait3A_279 = arith.constant 0 : i32
      %dma_wait3A_280 = tpu.memref_slice %arg5[%add3A_100, %dma_wait3A_279] : memref<80x128xi32, #tpu.memory_space<vmem>> -> memref<1x128xi32, #tpu.memory_space<vmem>>
      %dma_wait3A_281 = tpu.memref_squeeze %dma_wait3A_280 : memref<1x128xi32, #tpu.memory_space<vmem>> -> memref<128xi32, #tpu.memory_space<vmem>>
      %dma_wait3A_282 = arith.constant 0 : i32
      %dma_wait3A_283 = arith.constant 0 : i32
      %dma_wait3A_284 = tpu.memref_slice %arg3[%dma_wait3A_282, %dma_wait3A_283] : memref<1000000x32xf32, #tpu.memory_space<hbm>> -> memref<1000000x32xf32, #tpu.memory_space<hbm>>
      tpu.wait_indirect_dma semaphore(%arg7 : memref<!tpu.dma_semaphore, #tpu.memory_space<semaphore_mem>>) src(%dma_wait3A_284 : memref<1000000x32xf32, #tpu.memory_space<hbm>>) dst(%dma_wait3A_278 : memref<128x32xf32, #tpu.memory_space<vmem>>)
      %dma_wait3A_285 = arith.constant 1024 : i32
      %dma_wait3A_286 = arith.constant 0 : i32
      %dma_wait3A_287 = tpu.memref_slice %arg6[%dma_wait3A_285, %dma_wait3A_286] : memref<2048x32xf32, #tpu.memory_space<vmem>> -> memref<128x32xf32, #tpu.memory_space<vmem>>
      %dma_wait3A_288 = arith.constant 0 : i32
      %dma_wait3A_289 = tpu.memref_slice %arg5[%add3A_113, %dma_wait3A_288] : memref<80x128xi32, #tpu.memory_space<vmem>> -> memref<1x128xi32, #tpu.memory_space<vmem>>
      %dma_wait3A_290 = tpu.memref_squeeze %dma_wait3A_289 : memref<1x128xi32, #tpu.memory_space<vmem>> -> memref<128xi32, #tpu.memory_space<vmem>>
      %dma_wait3A_291 = arith.constant 0 : i32
      %dma_wait3A_292 = arith.constant 0 : i32
      %dma_wait3A_293 = tpu.memref_slice %arg3[%dma_wait3A_291, %dma_wait3A_292] : memref<1000000x32xf32, #tpu.memory_space<hbm>> -> memref<1000000x32xf32, #tpu.memory_space<hbm>>
      tpu.wait_indirect_dma semaphore(%arg7 : memref<!tpu.dma_semaphore, #tpu.memory_space<semaphore_mem>>) src(%dma_wait3A_293 : memref<1000000x32xf32, #tpu.memory_space<hbm>>) dst(%dma_wait3A_287 : memref<128x32xf32, #tpu.memory_space<vmem>>)
      %dma_wait3A_294 = arith.constant 1152 : i32
      %dma_wait3A_295 = arith.constant 0 : i32
      %dma_wait3A_296 = tpu.memref_slice %arg6[%dma_wait3A_294, %dma_wait3A_295] : memref<2048x32xf32, #tpu.memory_space<vmem>> -> memref<128x32xf32, #tpu.memory_space<vmem>>
      %dma_wait3A_297 = arith.constant 0 : i32
      %dma_wait3A_298 = tpu.memref_slice %arg5[%add3A_126, %dma_wait3A_297] : memref<80x128xi32, #tpu.memory_space<vmem>> -> memref<1x128xi32, #tpu.memory_space<vmem>>
      %dma_wait3A_299 = tpu.memref_squeeze %dma_wait3A_298 : memref<1x128xi32, #tpu.memory_space<vmem>> -> memref<128xi32, #tpu.memory_space<vmem>>
      %dma_wait3A_300 = arith.constant 0 : i32
      %dma_wait3A_301 = arith.constant 0 : i32
      %dma_wait3A_302 = tpu.memref_slice %arg3[%dma_wait3A_300, %dma_wait3A_301] : memref<1000000x32xf32, #tpu.memory_space<hbm>> -> memref<1000000x32xf32, #tpu.memory_space<hbm>>
      tpu.wait_indirect_dma semaphore(%arg7 : memref<!tpu.dma_semaphore, #tpu.memory_space<semaphore_mem>>) src(%dma_wait3A_302 : memref<1000000x32xf32, #tpu.memory_space<hbm>>) dst(%dma_wait3A_296 : memref<128x32xf32, #tpu.memory_space<vmem>>)
      %dma_wait3A_303 = arith.constant 1280 : i32
      %dma_wait3A_304 = arith.constant 0 : i32
      %dma_wait3A_305 = tpu.memref_slice %arg6[%dma_wait3A_303, %dma_wait3A_304] : memref<2048x32xf32, #tpu.memory_space<vmem>> -> memref<128x32xf32, #tpu.memory_space<vmem>>
      %dma_wait3A_306 = arith.constant 0 : i32
      %dma_wait3A_307 = tpu.memref_slice %arg5[%add3A_139, %dma_wait3A_306] : memref<80x128xi32, #tpu.memory_space<vmem>> -> memref<1x128xi32, #tpu.memory_space<vmem>>
      %dma_wait3A_308 = tpu.memref_squeeze %dma_wait3A_307 : memref<1x128xi32, #tpu.memory_space<vmem>> -> memref<128xi32, #tpu.memory_space<vmem>>
      %dma_wait3A_309 = arith.constant 0 : i32
      %dma_wait3A_310 = arith.constant 0 : i32
      %dma_wait3A_311 = tpu.memref_slice %arg3[%dma_wait3A_309, %dma_wait3A_310] : memref<1000000x32xf32, #tpu.memory_space<hbm>> -> memref<1000000x32xf32, #tpu.memory_space<hbm>>
      tpu.wait_indirect_dma semaphore(%arg7 : memref<!tpu.dma_semaphore, #tpu.memory_space<semaphore_mem>>) src(%dma_wait3A_311 : memref<1000000x32xf32, #tpu.memory_space<hbm>>) dst(%dma_wait3A_305 : memref<128x32xf32, #tpu.memory_space<vmem>>)
      %dma_wait3A_312 = arith.constant 1408 : i32
      %dma_wait3A_313 = arith.constant 0 : i32
      %dma_wait3A_314 = tpu.memref_slice %arg6[%dma_wait3A_312, %dma_wait3A_313] : memref<2048x32xf32, #tpu.memory_space<vmem>> -> memref<128x32xf32, #tpu.memory_space<vmem>>
      %dma_wait3A_315 = arith.constant 0 : i32
      %dma_wait3A_316 = tpu.memref_slice %arg5[%add3A_152, %dma_wait3A_315] : memref<80x128xi32, #tpu.memory_space<vmem>> -> memref<1x128xi32, #tpu.memory_space<vmem>>
      %dma_wait3A_317 = tpu.memref_squeeze %dma_wait3A_316 : memref<1x128xi32, #tpu.memory_space<vmem>> -> memref<128xi32, #tpu.memory_space<vmem>>
      %dma_wait3A_318 = arith.constant 0 : i32
      %dma_wait3A_319 = arith.constant 0 : i32
      %dma_wait3A_320 = tpu.memref_slice %arg3[%dma_wait3A_318, %dma_wait3A_319] : memref<1000000x32xf32, #tpu.memory_space<hbm>> -> memref<1000000x32xf32, #tpu.memory_space<hbm>>
      tpu.wait_indirect_dma semaphore(%arg7 : memref<!tpu.dma_semaphore, #tpu.memory_space<semaphore_mem>>) src(%dma_wait3A_320 : memref<1000000x32xf32, #tpu.memory_space<hbm>>) dst(%dma_wait3A_314 : memref<128x32xf32, #tpu.memory_space<vmem>>)
      %dma_wait3A_321 = arith.constant 1536 : i32
      %dma_wait3A_322 = arith.constant 0 : i32
      %dma_wait3A_323 = tpu.memref_slice %arg6[%dma_wait3A_321, %dma_wait3A_322] : memref<2048x32xf32, #tpu.memory_space<vmem>> -> memref<128x32xf32, #tpu.memory_space<vmem>>
      %dma_wait3A_324 = arith.constant 0 : i32
      %dma_wait3A_325 = tpu.memref_slice %arg5[%add3A_165, %dma_wait3A_324] : memref<80x128xi32, #tpu.memory_space<vmem>> -> memref<1x128xi32, #tpu.memory_space<vmem>>
      %dma_wait3A_326 = tpu.memref_squeeze %dma_wait3A_325 : memref<1x128xi32, #tpu.memory_space<vmem>> -> memref<128xi32, #tpu.memory_space<vmem>>
      %dma_wait3A_327 = arith.constant 0 : i32
      %dma_wait3A_328 = arith.constant 0 : i32
      %dma_wait3A_329 = tpu.memref_slice %arg3[%dma_wait3A_327, %dma_wait3A_328] : memref<1000000x32xf32, #tpu.memory_space<hbm>> -> memref<1000000x32xf32, #tpu.memory_space<hbm>>
      tpu.wait_indirect_dma semaphore(%arg7 : memref<!tpu.dma_semaphore, #tpu.memory_space<semaphore_mem>>) src(%dma_wait3A_329 : memref<1000000x32xf32, #tpu.memory_space<hbm>>) dst(%dma_wait3A_323 : memref<128x32xf32, #tpu.memory_space<vmem>>)
      %dma_wait3A_330 = arith.constant 1664 : i32
      %dma_wait3A_331 = arith.constant 0 : i32
      %dma_wait3A_332 = tpu.memref_slice %arg6[%dma_wait3A_330, %dma_wait3A_331] : memref<2048x32xf32, #tpu.memory_space<vmem>> -> memref<128x32xf32, #tpu.memory_space<vmem>>
      %dma_wait3A_333 = arith.constant 0 : i32
      %dma_wait3A_334 = tpu.memref_slice %arg5[%add3A_178, %dma_wait3A_333] : memref<80x128xi32, #tpu.memory_space<vmem>> -> memref<1x128xi32, #tpu.memory_space<vmem>>
      %dma_wait3A_335 = tpu.memref_squeeze %dma_wait3A_334 : memref<1x128xi32, #tpu.memory_space<vmem>> -> memref<128xi32, #tpu.memory_space<vmem>>
      %dma_wait3A_336 = arith.constant 0 : i32
      %dma_wait3A_337 = arith.constant 0 : i32
      %dma_wait3A_338 = tpu.memref_slice %arg3[%dma_wait3A_336, %dma_wait3A_337] : memref<1000000x32xf32, #tpu.memory_space<hbm>> -> memref<1000000x32xf32, #tpu.memory_space<hbm>>
      tpu.wait_indirect_dma semaphore(%arg7 : memref<!tpu.dma_semaphore, #tpu.memory_space<semaphore_mem>>) src(%dma_wait3A_338 : memref<1000000x32xf32, #tpu.memory_space<hbm>>) dst(%dma_wait3A_332 : memref<128x32xf32, #tpu.memory_space<vmem>>)
      %dma_wait3A_339 = arith.constant 1792 : i32
      %dma_wait3A_340 = arith.constant 0 : i32
      %dma_wait3A_341 = tpu.memref_slice %arg6[%dma_wait3A_339, %dma_wait3A_340] : memref<2048x32xf32, #tpu.memory_space<vmem>> -> memref<128x32xf32, #tpu.memory_space<vmem>>
      %dma_wait3A_342 = arith.constant 0 : i32
      %dma_wait3A_343 = tpu.memref_slice %arg5[%add3A_191, %dma_wait3A_342] : memref<80x128xi32, #tpu.memory_space<vmem>> -> memref<1x128xi32, #tpu.memory_space<vmem>>
      %dma_wait3A_344 = tpu.memref_squeeze %dma_wait3A_343 : memref<1x128xi32, #tpu.memory_space<vmem>> -> memref<128xi32, #tpu.memory_space<vmem>>
      %dma_wait3A_345 = arith.constant 0 : i32
      %dma_wait3A_346 = arith.constant 0 : i32
      %dma_wait3A_347 = tpu.memref_slice %arg3[%dma_wait3A_345, %dma_wait3A_346] : memref<1000000x32xf32, #tpu.memory_space<hbm>> -> memref<1000000x32xf32, #tpu.memory_space<hbm>>
      tpu.wait_indirect_dma semaphore(%arg7 : memref<!tpu.dma_semaphore, #tpu.memory_space<semaphore_mem>>) src(%dma_wait3A_347 : memref<1000000x32xf32, #tpu.memory_space<hbm>>) dst(%dma_wait3A_341 : memref<128x32xf32, #tpu.memory_space<vmem>>)
      %dma_wait3A_348 = arith.constant 1920 : i32
      %dma_wait3A_349 = arith.constant 0 : i32
      %dma_wait3A_350 = tpu.memref_slice %arg6[%dma_wait3A_348, %dma_wait3A_349] : memref<2048x32xf32, #tpu.memory_space<vmem>> -> memref<128x32xf32, #tpu.memory_space<vmem>>
      %dma_wait3A_351 = arith.constant 0 : i32
      %dma_wait3A_352 = tpu.memref_slice %arg5[%add3A_204, %dma_wait3A_351] : memref<80x128xi32, #tpu.memory_space<vmem>> -> memref<1x128xi32, #tpu.memory_space<vmem>>
      %dma_wait3A_353 = tpu.memref_squeeze %dma_wait3A_352 : memref<1x128xi32, #tpu.memory_space<vmem>> -> memref<128xi32, #tpu.memory_space<vmem>>
      %dma_wait3A_354 = arith.constant 0 : i32
      %dma_wait3A_355 = arith.constant 0 : i32
      %dma_wait3A_356 = tpu.memref_slice %arg3[%dma_wait3A_354, %dma_wait3A_355] : memref<1000000x32xf32, #tpu.memory_space<hbm>> -> memref<1000000x32xf32, #tpu.memory_space<hbm>>
      tpu.wait_indirect_dma semaphore(%arg7 : memref<!tpu.dma_semaphore, #tpu.memory_space<semaphore_mem>>) src(%dma_wait3A_356 : memref<1000000x32xf32, #tpu.memory_space<hbm>>) dst(%dma_wait3A_350 : memref<128x32xf32, #tpu.memory_space<vmem>>)
      "tpu.region"() ({
        %run_scoped3A = tpu.sem_alloc : memref<!tpu.dma_semaphore, #tpu.memory_space<semaphore_mem>>
        %dma_start3A_357 = arith.constant 0 : i32
        %dma_start3A_358 = arith.constant 0 : i32
        %dma_start3A_359 = tpu.memref_slice %arg4[%add3A, %scan3A_6, %dma_start3A_357, %dma_start3A_358] : memref<32x5x2048x32xf32, #tpu.memory_space<hbm>> -> memref<1x1x2048x32xf32, #tpu.memory_space<hbm>>
        %dma_start3A_360 = tpu.memref_squeeze %dma_start3A_359 : memref<1x1x2048x32xf32, #tpu.memory_space<hbm>> -> memref<2048x32xf32, #tpu.memory_space<hbm>>
        %dma_start3A_361 = arith.constant 0 : i32
        %dma_start3A_362 = arith.constant 0 : i32
        %dma_start3A_363 = tpu.memref_slice %arg4[%add3A, %scan3A_6, %dma_start3A_361, %dma_start3A_362] : memref<32x5x2048x32xf32, #tpu.memory_space<hbm>> -> memref<1x1x2048x32xf32, #tpu.memory_space<hbm>>
        %dma_start3A_364 = tpu.memref_squeeze %dma_start3A_363 : memref<1x1x2048x32xf32, #tpu.memory_space<hbm>> -> memref<2048x32xf32, #tpu.memory_space<hbm>>
        tpu.enqueue_dma source(%arg6 : memref<2048x32xf32, #tpu.memory_space<vmem>>) target(%dma_start3A_364 : memref<2048x32xf32, #tpu.memory_space<hbm>>) target_semaphore(%run_scoped3A : memref<!tpu.dma_semaphore, #tpu.memory_space<semaphore_mem>>)
        %dma_wait3A_365 = arith.constant 0 : i32
        %dma_wait3A_366 = arith.constant 0 : i32
        %dma_wait3A_367 = tpu.memref_slice %arg4[%add3A, %scan3A_6, %dma_wait3A_365, %dma_wait3A_366] : memref<32x5x2048x32xf32, #tpu.memory_space<hbm>> -> memref<1x1x2048x32xf32, #tpu.memory_space<hbm>>
        %dma_wait3A_368 = tpu.memref_squeeze %dma_wait3A_367 : memref<1x1x2048x32xf32, #tpu.memory_space<hbm>> -> memref<2048x32xf32, #tpu.memory_space<hbm>>
        %dma_wait3A_369 = arith.constant 0 : i32
        %dma_wait3A_370 = arith.constant 0 : i32
        %dma_wait3A_371 = tpu.memref_slice %arg4[%add3A, %scan3A_6, %dma_wait3A_369, %dma_wait3A_370] : memref<32x5x2048x32xf32, #tpu.memory_space<hbm>> -> memref<1x1x2048x32xf32, #tpu.memory_space<hbm>>
        %dma_wait3A_372 = tpu.memref_squeeze %dma_wait3A_371 : memref<1x1x2048x32xf32, #tpu.memory_space<hbm>> -> memref<2048x32xf32, #tpu.memory_space<hbm>>
        tpu.wait_dma2 semaphore(%run_scoped3A : memref<!tpu.dma_semaphore, #tpu.memory_space<semaphore_mem>>) src(%arg6 : memref<2048x32xf32, #tpu.memory_space<vmem>>) dst(%dma_wait3A_372 : memref<2048x32xf32, #tpu.memory_space<hbm>>)
        tpu.yield
      }) : () -> ()
    }
    %scan3A_5 = arith.constant 5 : i32
    return
  }
}

</mosaic_0001>

<sc_bundles>
// kernel: _gather.3.cloned.1.call-start
scs
__scs_entry_jumppad:
0x0: {  	(pc) =	sbr.rel $0x88, $3  }
0x1: {  	(tag) =	ssettag $0x0;
	lr =	simm.s32 $0x1  }
0x2: {  	[smem:$0x3F9F] =	sst lr;
	_ =	strace $0xD0000000  }
0x3: {  	_ = 	snop  }
0x4: {  	_ = 	snop  }
0x5: {  	_ = 	snop  }
0x6: {  	_ = 	snop  }
0x7: {  	_ = 	snop  }
__scs_overlays_trampoline_lowered:
0x8: {  	[smem:$0x3FAE] =	sst s0  }
0x9: {  	[smem:$0x3FAF] =	sst s1  }
0xa: {  	[smem:$0x3FB0] =	sst s2  }
0xb: {  	[smem:$0x3FB1] =	sst s3  }
0xc: {  	[smem:$0x3FB2] =	sst s4  }
0xd: {  	[smem:$0x3FB3] =	sst s5  }
0xe: {  	[smem:$0x3FB4] =	sst s6  }
0xf: {  	[smem:$0x3FB5] =	sst s7  }
0x10: {  	[smem:$0x3FB6] =	sst s8  }
0x11: {  	[smem:$0x3FB7] =	sst s9;
	s0 =	simm.s32 @!p0 $0x0  }
0x12: {  	s1 =	sld [smem:$0x3F9D];
	s0 =	simm.s32 @p0 $0x1  }
0x13: {  	[smem:$0x3FB8] =	sst s0;
	s0 =	simm.s32 @!p1 $0x0  }
0x14: {  	s2 =	sld [smem:$0x3F9C];
	s0 =	simm.s32 @p1 $0x1  }
0x15: {  	[smem:$0x3FB9] =	sst s0;
	s0 =	simm.s32 @!p2 $0x0  }
0x16: {  	s3 =	sld [smem:$0x3FDB];
	s0 =	simm.s32 @p2 $0x1  }
0x17: {  	s4 =	simm.s32 $0x1BF5;
	[smem:$0x3FBB] =	sst s0  }
0x18: {  	s0 =	sld [smem:$0x3F9E];
	_ =	swait.ge [sflag:s4], $0x0  }
0x19: {  	s7 =	sld [smem:$0x3F9F]  }
0x1a: {  	s8 =	sadd.s32 $0xFFFFE003, lr  }
0x1b: {  	s9 =	sadd.s32 $0xFFFFFEF7, lr;
	s5 =	simm.s32 $0xFFFFFFFF;
	p2 =	slt.u32 s8, $0xFFFFF086  }
0x1c: {  	p1 =	slt.u32 s9, $0xF7A;
	s5 =	simm.s32 @!p2 $0x0  }
0x1d: {  	s5 =	simm.s32 @p1 $0x1;
	p0 =	seq.s32 s7, s2  }
0x1e: {  	s7 =	smul.u32 @!p0 $0xF7A, s2;
	p2 =	seq.s32 @!p0 s5, $0x0  }
0x1f: {  	s9 =	smul.u32 $0xF7A, s1;
	s8 =	simm.s32 @!p0 $0x1BF5;
	p2 =	por !p2, p0  }
0x20: {  	[sflag:s8] =	ssyncset.s32 @!p0 $0xFFFFF086;
	s6 =	sadd.s32 @!p0 s3, s7;
	s7 =	simm.s32 @!p0 $0x108  }
0x21: {  	s3 =	sadd.s32 s3, s9;
	s6 =	sadd.s32 @!p0 $0x88, s6;
	s7 =	simm.s32 @p2 $0x1082  }
0x22: {  	[simem:s7], [sflag:s8] =	dma.local @!p0 [hbm:s6], $0xF7A  }
0x23: {  	s9 =	sor.u32 $0xD0000000, s2;
	s6 =	simm.s32 $0x108;
	_ =	swait.ge @!p0 [sflag:s8], $0x0  }
0x24: {  	s3 =	sadd.s32 $0x88, s3;
	s6 =	simm.s32 @!p1 $0x1082;
	[sflag:s4] =	ssyncset.s32 $0xFFFFF086  }
0x25: {  	[simem:s6], [sflag:s4] =	dma.local [hbm:s3], $0xF7A  }
0x26: {  	[smem:$0x3F9F] =	sst s1;
	(tag) =	ssettag s2;
	_ =	strace s9  }
0x27: {  	s1 =	sld [smem:$0x3FAF]  }
0x28: {  	s2 =	sld [smem:$0x3FB0]  }
0x29: {  	s4 =	sld [smem:$0x3FB2]  }
0x2a: {  	p0 =	seq.s32 s5, $0x0;
	s5 =	sld [smem:$0x3FB3]  }
0x2b: {  	s6 =	sld [smem:$0x3FB4]  }
0x2c: {  	s7 =	sld [smem:$0x3FB5]  }
0x2d: {  	s3 =	simm.s32 $0x108;
	s8 =	sld [smem:$0x3FB6]  }
0x2e: {  	s3 =	simm.s32 @!p0 $0x1082;
	s9 =	sld [smem:$0x3FB7]  }
0x2f: {  	lr =	sadd.s32 s0, s3;
	s0 =	sld [smem:$0x3FAE]  }
0x30: {  	s3 =	sld [smem:$0x3FB1]  }
0x31: {  	[smem:$0x3FBA] =	sst s10  }
0x32: {  	s10 =	sld [smem:$0x3FB8];
	_ =	sdelay $0x3  }
0x33: {  	p0 =	seq.s32 s10, $0x1;
	s10 =	sld [smem:$0x3FBA];
	_ =	sdelay $0x3  }
0x34: {  	[smem:$0x3FBA] =	sst s10  }
0x35: {  	s10 =	sld [smem:$0x3FB9];
	_ =	sdelay $0x3  }
0x36: {  	p1 =	seq.s32 s10, $0x1;
	s10 =	sld [smem:$0x3FBA];
	_ =	sdelay $0x3  }
0x37: {  	[smem:$0x3FBA] =	sst s10  }
0x38: {  	s10 =	sld [smem:$0x3FBB]  }
0x39: {  	_ = 	snop;
	(pc) =	sbr.ind lr, $3  }
0x3a: {  	_ = 	snop  }
0x3b: {  	_ = 	snop  }
0x3c: {  	p2 =	seq.s32 s10, $0x1;
	s10 =	sld [smem:$0x3FBA]  }
0x3d: {  	_ =	shalt  }
0x3e: {  	_ =	shalt  }
0x3f: {  	_ =	shalt  }
0x40: {  	_ =	shalt  }
0x41: {  	_ =	shalt  }
0x42: {  	_ =	shalt  }
0x43: {  	_ =	shalt  }
0x44: {  	_ =	shalt  }
0x45: {  	_ =	shalt  }
0x46: {  	_ =	shalt  }
0x47: {  	_ =	shalt  }
0x48: {  	_ =	shalt  }
0x49: {  	_ =	shalt  }
0x4a: {  	_ =	shalt  }
0x4b: {  	_ =	shalt  }
0x4c: {  	_ =	shalt  }
0x4d: {  	_ =	shalt  }
0x4e: {  	_ =	shalt  }
0x4f: {  	_ =	shalt  }
0x50: {  	_ =	shalt  }
0x51: {  	_ =	shalt  }
0x52: {  	_ =	shalt  }
0x53: {  	_ =	shalt  }
0x54: {  	_ =	shalt  }
0x55: {  	_ =	shalt  }
0x56: {  	_ =	shalt  }
0x57: {  	_ =	shalt  }
0x58: {  	_ =	shalt  }
0x59: {  	_ =	shalt  }
0x5a: {  	_ =	shalt  }
0x5b: {  	_ =	shalt  }
0x5c: {  	_ =	shalt  }
0x5d: {  	_ =	shalt  }
0x5e: {  	_ =	shalt  }
0x5f: {  	_ =	shalt  }
0x60: {  	_ =	shalt  }
0x61: {  	_ =	shalt  }
0x62: {  	_ =	shalt  }
0x63: {  	_ =	shalt  }
0x64: {  	_ =	shalt  }
0x65: {  	_ =	shalt  }
0x66: {  	_ =	shalt  }
0x67: {  	_ =	shalt  }
0x68: {  	_ =	shalt  }
0x69: {  	_ =	shalt  }
0x6a: {  	_ =	shalt  }
0x6b: {  	_ =	shalt  }
0x6c: {  	_ =	shalt  }
0x6d: {  	_ =	shalt  }
0x6e: {  	_ =	shalt  }
0x6f: {  	_ =	shalt  }
0x70: {  	_ =	shalt  }
0x71: {  	_ =	shalt  }
0x72: {  	_ =	shalt  }
0x73: {  	_ =	shalt  }
0x74: {  	_ =	shalt  }
0x75: {  	_ =	shalt  }
0x76: {  	_ =	shalt  }
0x77: {  	_ =	shalt  }
0x78: {  	_ =	shalt  }
0x79: {  	_ =	shalt  }
0x7a: {  	_ =	shalt  }
0x7b: {  	_ =	shalt  }
0x7c: {  	_ =	shalt  }
0x7d: {  	_ =	shalt  }
0x7e: {  	_ =	shalt  }
0x7f: {  	_ =	shalt  }
0x80: {  	_ =	shalt  }
0x81: {  	_ =	shalt  }
0x82: {  	_ =	shalt  }
0x83: {  	_ =	shalt  }
0x84: {  	_ =	shalt  }
0x85: {  	_ =	shalt  }
0x86: {  	_ =	shalt  }
0x87: {  	_ =	shalt  }
.Lfunc_end0:
.L_simem_size_0:
called_computation.1_lowered:
.L_overlay_start_0:
0x88: {  	s2 =	sld [smem:$0x3FD9]  }
0x89: {  	s3 =	sld [smem:$0x3FFE];
	_ =	sdelay $0x1  }
0x8a: {  	s1 =	srdreg.scid  }
0x8b: {  	s0 =	sand.u32 $0x1, s1  }
0x8c: {  	s17 =	sshll.u32 s0, $0xA;
	s2 =	sadd.s32 s3, s2  }
0x8d: {  	s2 =	sadd.s32 s2, s17  }
0x8e: {  	[smem:$0x3FC6] =	sst s2  }
0x8f: {  	_ = 	snop  }
0x90: {  	s2 =	sld [smem:$0x3FC9]  }
0x91: {  	s18 =	sld [smem:$0x3FD0];
	(tm) =	ssettm $0x1  }
0x92: {  	s4 =	sld [smem:$0x3FFB];
	_ =	sdelay $0x3  }
0x93: {  	_ =	strace s4  }
0x94: {  	s4 =	sld [smem:$0x3FFC];
	_ =	sdelay $0x3  }
0x95: {  	_ =	strace s4  }
0x96: {  	s4 =	sld [smem:$0x3FFD];
	_ =	sdelay $0x3  }
0x97: {  	_ =	strace s4  }
0x98: {  	_ =	strace $0x8FFFFFFF  }
0x99: {  	s19 =	sld [smem:$0x3FDB];
	_ =	sdelay $0x1  }
0x9a: {  	s5 =	simm.s32 $_scs_section_size  }
0x9b: {  	s6 =	simm.s32 $_size__tile_overlayer_lowered;
	s7 =	simm.s32 $_tile_overlayer_lowered  }
0x9c: {  	s22 =	simm.s32 $0x1BFF;
	s21 =	sshll.u32 s7, $0x1;
	s4 =	sadd.s32 s5, s19  }
0x9d: {  	s8 =	simm.s32 $0x0;
	s20 =	sshll.u32 s6, $0x1;
	s6 =	sadd.s32 s21, s4  }
0x9e: {  	[timem:s8], [sflag:s22] =	dma.local [hbm:s6], s20  }
0x9f: {  	_ =	swait.ge [sflag:s22], s20  }
0xa0: {  	s5 =	ssub.s32 $0x0, s20;
	[sflag:s22] =	ssyncset.done $0x0  }
0xa1: {  	[sflag:s22] =	ssyncadd.s32 s5;
	_ =	sdelay $0x1  }
0xa2: {  	s23 =	simm.s32 $0x1B8B  }
0xa3: {  	_ =	swait.ge [sflag:s23], $0x1  }
0xa4: {  	[sflag:s23] =	ssyncset.done $0x0  }
0xa5: {  	s25 =	simm.s32 $0x1B8E;
	s24 =	sld [smem:$0x3FFE];
	[sflag:s23] =	ssyncadd.s32 $0xFFFFFFFF  }
0xa6: {  	s26 =	simm.s32 $execute0_lowered;
	[smem:$0x3FD2] =	sst s25  }
0xa7: {  	s6 =	sshll.u32 s26, $0x1;
	_ =	strace $0x80000046;
	[dreg:$0x1] =	wrdreg $0xFFFFFFFF  }
0xa8: {  	s28 =	simm.s32 $_size_execute0_lowered;
	s4 =	sadd.s32 s4, s6;
	[dreg:$0x0] =	wrdreg $0x0  }
0xa9: {  	s6 =	sshll.u32 s28, $0x1;
	[dreg:$0x2] =	wrdreg s4  }
0xaa: {  	[dreg:$0x3] =	wrdreg s6  }
0xab: {  	[dreg:$0x4] =	wrdreg $0xC0  }
0xac: {  	_ =	task [dreg:s8], $0x5FFFF  }
0xad: {  	[dreg:$0x1] =	wrdreg $0xFFFFFFFF  }
0xae: {  	[dreg:$0x0] =	wrdreg $0x60  }
0xaf: {  	[dreg:$0x2] =	wrdreg s2  }
0xb0: {  	[dreg:$0x3] =	wrdreg s24  }
0xb1: {  	[dreg:$0x4] =	wrdreg s18  }
0xb2: {  	[dreg:$0x5] =	wrdreg $0x9  }
0xb3: {  	_ =	task.clear_ibuf [dreg:s8], $0x6FFFF;
	_ =	strace $0x90000046  }
0xb4: {  	s29 =	simm.s32 $0x9;
	_ =	strace $0x80000048  }
0xb5: {  	_ =	swait.ge [sflag:s29], $0x1  }
0xb6: {  	[sflag:s29] =	ssyncadd.s32 $0xFFFFFFFF  }
0xb7: {  	_ =	strace $0x90000048  }
0xb8: {  	_ =	sfence  }
0xb9: {  	s30 =	sld [smem:$0x0];
	_ =	sdelay $0x2  }
0xba: {  	s31 =	sshll.u32 s1, $0xD;
	s1 =	sshrl.u32 s1, $0x2  }
0xbb: {  	s3 =	sand.u32 $0x4000, s31;
	s1 =	sadd.s32 s1, s30  }
0xbc: {  	s0 =	sor.u32 s3, s0;
	s1 =	sshll.u32 s1, $0x11  }
0xbd: {  	s0 =	sor.u32 s1, s0  }
0xbe: {  	s0 =	sadd.s32 $0x8F2B, s0  }
0xbf: {  	[sflag:s0] =	ssyncadd.remote.s32 $0x1  }
0xc0: {  	_ =	sfence.sel $0xFFFF  }
0xc1: {  	[dreg:$0x0] =	wrdreg $0xFFFFFFFF;
	(pc) =	sbr.abs _section_cstart, $3  }
0xc2: {  	[dreg:$0x1] =	wrdreg $0xFFFFFFFF  }
0xc3: {  	_ =	task.clear_ibuf [dreg:s8], $0x2FFFF;
	_ =	strace $0x9FFFFFFF  }
0xc4: {  	(tm) =	ssettm $0x7FFFFFFF  }
0xc5: {  	_ =	shalt  }
tec
execute0_lowered:
.L_overlay_start_1:
0x0: {  	(tag) =	ssettag $0x1  }
0x1: {  	s4 =	rddreg [dreg:$0x0]  }
0x2: {  	s3 =	rddreg [dreg:$0x1]  }
0x3: {  	s5 =	rddreg [dreg:$0x2]  }
0x4: {  	s0 =	rddreg [dreg:$0x3]  }
0x5: {  	s6 =	srdreg.scid;
	s1 =	stileid.u32  }
0x6: {  	s2 =	simm.s32 $0x0;
	s25 =	simm.s32 $0x3800;
	s26 =	simm.s32 $0x4800  }
0x7: {  	s28 =	simm.s32 $0x5800;
	s29 =	simm.s32 $0x6800;
	s30 =	simm.s32 $0x7800  }
0x8: {  	s31 =	simm.s32 $0x8800;
	s10 =	simm.s32 $0xA800;
	s11 =	simm.s32 $0xB800  }
0x9: {  	s12 =	simm.s32 $0xC800;
	s13 =	simm.s32 $0xD800;
	s14 =	simm.s32 $0xE800  }
0xa: {  	s15 =	simm.s32 $0xF800;
	s16 =	simm.s32 $0x10800;
	[smem:$0x7FF] =	sst s2  }
0xb: {  	s17 =	simm.s32 $0x11800;
	_ =	strace $0x80000047;
	[dreg:$0x5] =	wrdreg s25  }
0xc: {  	s18 =	simm.s32 $0x1;
	s19 =	simm.s32 $0x0;
	[dreg:$0x6] =	wrdreg s26  }
0xd: {  	s6 =	sand.u32 $0x1, s6;
	s7 =	smul.u32 $0xA0000, s1;
	[dreg:$0x7] =	wrdreg s28  }
0xe: {  	s3 =	sadd.s32 $0xF42C00, s3;
	s9 =	sshll.u32 s1, $0x1;
	[dreg:$0x8] =	wrdreg s29  }
0xf: {  	s8 =	smul.u32 $0x50000, s6;
	s22 =	ssub.s32 $0x2, s6;
	[dreg:$0x9] =	wrdreg s30  }
0x10: {  	s6 =	sor.u32 s6, s9;
	[dreg:$0xa] =	wrdreg s31;
	s9 =	simm.s32 $0x9800  }
0x11: {  	s23 =	sshrl.u32 s22, $0x1;
	s6 =	smul.u32 $0x500, s6;
	s7 =	sadd.s32 s8, s7  }
0x12: {  	s24 =	ssub.s32 s22, s23;
	s8 =	simm.s32 $0x2800;
	s7 =	sshrl.u32 s7, $0x3  }
0x13: {  	s4 =	sadd.s32 s4, s6;
	s6 =	simm.s32 $0x2;
	s5 =	sadd.s32 s7, s5  }
0x14: {  	s7 =	simm.s32 $0x80;
	[dreg:$0x4] =	wrdreg s5;
	s5 =	smax.u32 s24, $0x1  }
.LBB2_1:
0x15: {  	[tilespmem:s2], [sflag:$0x2] =	stream.linear.gather [hbm4b:s4+s2], $0x2800, $0x38;
	[tilespmem:$0x12800] =	vst v63  }
0x16: {  	_ =	swait.ge [sflag:s6], $0x2800  }
0x17: {  	[sflag:s6] =	ssyncset.done $0x0  }
0x18: {  	s20 =	simm.s32 $0x0;
	[sflag:s6] =	ssyncadd.s32 $0xFFFFD800  }
0x19: {  	[tilespmem:s8], [sflag:$0x1] =	stream.indirect.gather [hbm4b:s3+s7], $0x20, s20, s7, $0xb8;
	[tilespmem:$0x12800] =	vst v63  }
0x1a: {  	s22 =	simm.s32 $0x80;
	s21 =	rddreg [dreg:$0x5]  }
0x1b: {  	[tilespmem:s21], [sflag:$0x1] =	stream.indirect.gather [hbm4b:s3+s7], $0x20, s22, s7, $0xb8;
	[tilespmem:$0x12800] =	vst v63  }
0x1c: {  	s31 =	rddreg [dreg:$0x6];
	s22 =	simm.s32 $0x100  }
0x1d: {  	[tilespmem:s31], [sflag:$0x1] =	stream.indirect.gather [hbm4b:s3+s7], $0x20, s22, s7, $0xb8;
	[tilespmem:$0x12800] =	vst v63  }
0x1e: {  	s24 =	simm.s32 $0x180;
	s23 =	rddreg [dreg:$0x7]  }
0x1f: {  	[tilespmem:s23], [sflag:$0x1] =	stream.indirect.gather [hbm4b:s3+s7], $0x20, s24, s7, $0xb8;
	[tilespmem:$0x12800] =	vst v63  }
0x20: {  	s28 =	simm.s32 $0x200;
	s25 =	rddreg [dreg:$0x8]  }
0x21: {  	[tilespmem:s25], [sflag:$0x1] =	stream.indirect.gather [hbm4b:s3+s7], $0x20, s28, s7, $0xb8;
	[tilespmem:$0x12800] =	vst v63  }
0x22: {  	s29 =	simm.s32 $0x280;
	s26 =	rddreg [dreg:$0x9]  }
0x23: {  	[tilespmem:s26], [sflag:$0x1] =	stream.indirect.gather [hbm4b:s3+s7], $0x20, s29, s7, $0xb8;
	[tilespmem:$0x12800] =	vst v63  }
0x24: {  	s30 =	rddreg [dreg:$0xa];
	s31 =	simm.s32 $0x300  }
0x25: {  	[tilespmem:s30], [sflag:$0x1] =	stream.indirect.gather [hbm4b:s3+s7], $0x20, s31, s7, $0xb8;
	[tilespmem:$0x12800] =	vst v63  }
0x26: {  	s21 =	simm.s32 $0x380  }
0x27: {  	[tilespmem:s9], [sflag:$0x1] =	stream.indirect.gather [hbm4b:s3+s7], $0x20, s21, s7, $0xb8;
	[tilespmem:$0x12800] =	vst v63  }
0x28: {  	s22 =	simm.s32 $0x400  }
0x29: {  	[tilespmem:s10], [sflag:$0x1] =	stream.indirect.gather [hbm4b:s3+s7], $0x20, s22, s7, $0xb8;
	[tilespmem:$0x12800] =	vst v63  }
0x2a: {  	s23 =	simm.s32 $0x480  }
0x2b: {  	[tilespmem:s11], [sflag:$0x1] =	stream.indirect.gather [hbm4b:s3+s7], $0x20, s23, s7, $0xb8;
	[tilespmem:$0x12800] =	vst v63  }
0x2c: {  	s24 =	simm.s32 $0x500  }
0x2d: {  	[tilespmem:s12], [sflag:$0x1] =	stream.indirect.gather [hbm4b:s3+s7], $0x20, s24, s7, $0xb8;
	[tilespmem:$0x12800] =	vst v63  }
0x2e: {  	s25 =	simm.s32 $0x580  }
0x2f: {  	[tilespmem:s13], [sflag:$0x1] =	stream.indirect.gather [hbm4b:s3+s7], $0x20, s25, s7, $0xb8;
	[tilespmem:$0x12800] =	vst v63  }
0x30: {  	s26 =	simm.s32 $0x600  }
0x31: {  	[tilespmem:s14], [sflag:$0x1] =	stream.indirect.gather [hbm4b:s3+s7], $0x20, s26, s7, $0xb8;
	[tilespmem:$0x12800] =	vst v63  }
0x32: {  	s28 =	simm.s32 $0x680  }
0x33: {  	[tilespmem:s15], [sflag:$0x1] =	stream.indirect.gather [hbm4b:s3+s7], $0x20, s28, s7, $0xb8;
	[tilespmem:$0x12800] =	vst v63  }
0x34: {  	s29 =	simm.s32 $0x700  }
0x35: {  	[tilespmem:s16], [sflag:$0x1] =	stream.indirect.gather [hbm4b:s3+s7], $0x20, s29, s7, $0xb8;
	[tilespmem:$0x12800] =	vst v63  }
0x36: {  	s30 =	simm.s32 $0x780  }
0x37: {  	[tilespmem:s17], [sflag:$0x1] =	stream.indirect.gather [hbm4b:s3+s7], $0x20, s30, s7, $0xb8;
	[tilespmem:$0x12800] =	vst v63  }
0x38: {  	_ =	swait.ge [sflag:s18], $0x1000  }
0x39: {  	[sflag:s18] =	ssyncset.done $0x0  }
0x3a: {  	[sflag:s18] =	ssyncadd.s32 $0xFFFFF000  }
0x3b: {  	_ =	swait.ge [sflag:s18], $0x1000  }
0x3c: {  	[sflag:s18] =	ssyncset.done $0x0  }
0x3d: {  	[sflag:s18] =	ssyncadd.s32 $0xFFFFF000  }
0x3e: {  	_ =	swait.ge [sflag:s18], $0x1000  }
0x3f: {  	[sflag:s18] =	ssyncset.done $0x0  }
0x40: {  	[sflag:s18] =	ssyncadd.s32 $0xFFFFF000  }
0x41: {  	_ =	swait.ge [sflag:s18], $0x1000  }
0x42: {  	[sflag:s18] =	ssyncset.done $0x0  }
0x43: {  	[sflag:s18] =	ssyncadd.s32 $0xFFFFF000  }
0x44: {  	_ =	swait.ge [sflag:s18], $0x1000  }
0x45: {  	[sflag:s18] =	ssyncset.done $0x0  }
0x46: {  	[sflag:s18] =	ssyncadd.s32 $0xFFFFF000  }
0x47: {  	_ =	swait.ge [sflag:s18], $0x1000  }
0x48: {  	[sflag:s18] =	ssyncset.done $0x0  }
0x49: {  	[sflag:s18] =	ssyncadd.s32 $0xFFFFF000  }
0x4a: {  	_ =	swait.ge [sflag:s18], $0x1000  }
0x4b: {  	[sflag:s18] =	ssyncset.done $0x0  }
0x4c: {  	[sflag:s18] =	ssyncadd.s32 $0xFFFFF000  }
0x4d: {  	_ =	swait.ge [sflag:s18], $0x1000  }
0x4e: {  	[sflag:s18] =	ssyncset.done $0x0  }
0x4f: {  	[sflag:s18] =	ssyncadd.s32 $0xFFFFF000  }
0x50: {  	_ =	swait.ge [sflag:s18], $0x1000  }
0x51: {  	[sflag:s18] =	ssyncset.done $0x0  }
0x52: {  	[sflag:s18] =	ssyncadd.s32 $0xFFFFF000  }
0x53: {  	_ =	swait.ge [sflag:s18], $0x1000  }
0x54: {  	[sflag:s18] =	ssyncset.done $0x0  }
0x55: {  	[sflag:s18] =	ssyncadd.s32 $0xFFFFF000  }
0x56: {  	_ =	swait.ge [sflag:s18], $0x1000  }
0x57: {  	[sflag:s18] =	ssyncset.done $0x0  }
0x58: {  	[sflag:s18] =	ssyncadd.s32 $0xFFFFF000  }
0x59: {  	_ =	swait.ge [sflag:s18], $0x1000  }
0x5a: {  	[sflag:s18] =	ssyncset.done $0x0  }
0x5b: {  	[sflag:s18] =	ssyncadd.s32 $0xFFFFF000  }
0x5c: {  	_ =	swait.ge [sflag:s18], $0x1000  }
0x5d: {  	[sflag:s18] =	ssyncset.done $0x0  }
0x5e: {  	[sflag:s18] =	ssyncadd.s32 $0xFFFFF000  }
0x5f: {  	_ =	swait.ge [sflag:s18], $0x1000  }
0x60: {  	[sflag:s18] =	ssyncset.done $0x0  }
0x61: {  	[sflag:s18] =	ssyncadd.s32 $0xFFFFF000  }
0x62: {  	_ =	swait.ge [sflag:s18], $0x1000  }
0x63: {  	[sflag:s18] =	ssyncset.done $0x0  }
0x64: {  	[sflag:s18] =	ssyncadd.s32 $0xFFFFF000  }
0x65: {  	_ =	swait.ge [sflag:s18], $0x1000  }
0x66: {  	s31 =	rddreg [dreg:$0x4];
	[sflag:s18] =	ssyncset.done $0x0  }
0x67: {  	[sflag:s18] =	ssyncadd.s32 $0xFFFFF000;
	s20 =	sadd.s32 $0x0, s31  }
0x68: {  	[hbm4b:s20+s2] =	stream.linear.scatter [tilespmem:s8], [sflag:$0x2], $0x10000, $0x38;
	[tilespmem:$0x12800] =	vst v63  }
0x69: {  	s25 =	simm.s32 $0x4000;
	_ =	swait.ge [sflag:s6], $0x10000  }
0x6a: {  	s20 =	simm.s32 $0x2000;
	s24 =	rddreg [dreg:$0x6];
	[sflag:s6] =	ssyncset.done $0x0  }
.LBB2_2:
0x6b: {  	s23 =	sshra.s32 s20, $0x2;
	[sflag:s6] =	ssyncadd.s32 $0xFFFF0000  }
0x6c: {  	[tilespmem:s8], [sflag:$0x1] =	stream.indirect.gather [hbm4b:s3+s7], $0x20, s23, s7, $0xb8;
	[tilespmem:$0x12800] =	vst v63  }
0x6d: {  	s26 =	rddreg [dreg:$0x5];
	s28 =	sadd.s32 $0x80, s23  }
0x6e: {  	[tilespmem:s26], [sflag:$0x1] =	stream.indirect.gather [hbm4b:s3+s7], $0x20, s28, s7, $0xb8;
	[tilespmem:$0x12800] =	vst v63  }
0x6f: {  	s30 =	sadd.s32 $0x100, s23  }
0x70: {  	[tilespmem:s24], [sflag:$0x1] =	stream.indirect.gather [hbm4b:s3+s7], $0x20, s30, s7, $0xb8;
	[tilespmem:$0x12800] =	vst v63  }
0x71: {  	s22 =	smov.u32 s25;
	s31 =	rddreg [dreg:$0x7];
	s28 =	sadd.s32 $0x180, s23  }
0x72: {  	[tilespmem:s31], [sflag:$0x1] =	stream.indirect.gather [hbm4b:s3+s7], $0x20, s28, s7, $0xb8;
	[tilespmem:$0x12800] =	vst v63  }
0x73: {  	s21 =	sadd.s32 $0x2000, s25;
	s30 =	rddreg [dreg:$0x8];
	s31 =	sadd.s32 $0x200, s23  }
0x74: {  	[tilespmem:s30], [sflag:$0x1] =	stream.indirect.gather [hbm4b:s3+s7], $0x20, s31, s7, $0xb8;
	[tilespmem:$0x12800] =	vst v63  }
0x75: {  	s29 =	rddreg [dreg:$0x9];
	p0 =	sne.s32 s25, $0x8000;
	s25 =	sadd.s32 $0x280, s23  }
0x76: {  	[tilespmem:s29], [sflag:$0x1] =	stream.indirect.gather [hbm4b:s3+s7], $0x20, s25, s7, $0xb8;
	[tilespmem:$0x12800] =	vst v63  }
0x77: {  	s26 =	rddreg [dreg:$0xa];
	s28 =	sadd.s32 $0x300, s23  }
0x78: {  	[tilespmem:s26], [sflag:$0x1] =	stream.indirect.gather [hbm4b:s3+s7], $0x20, s28, s7, $0xb8;
	[tilespmem:$0x12800] =	vst v63  }
0x79: {  	s29 =	sadd.s32 $0x380, s23  }
0x7a: {  	[tilespmem:s9], [sflag:$0x1] =	stream.indirect.gather [hbm4b:s3+s7], $0x20, s29, s7, $0xb8;
	[tilespmem:$0x12800] =	vst v63  }
0x7b: {  	s30 =	sadd.s32 $0x400, s23  }
0x7c: {  	[tilespmem:s10], [sflag:$0x1] =	stream.indirect.gather [hbm4b:s3+s7], $0x20, s30, s7, $0xb8;
	[tilespmem:$0x12800] =	vst v63  }
0x7d: {  	s31 =	sadd.s32 $0x480, s23  }
0x7e: {  	[tilespmem:s11], [sflag:$0x1] =	stream.indirect.gather [hbm4b:s3+s7], $0x20, s31, s7, $0xb8;
	[tilespmem:$0x12800] =	vst v63  }
0x7f: {  	s25 =	sadd.s32 $0x500, s23  }
0x80: {  	[tilespmem:s12], [sflag:$0x1] =	stream.indirect.gather [hbm4b:s3+s7], $0x20, s25, s7, $0xb8;
	[tilespmem:$0x12800] =	vst v63  }
0x81: {  	s26 =	sadd.s32 $0x580, s23  }
0x82: {  	[tilespmem:s13], [sflag:$0x1] =	stream.indirect.gather [hbm4b:s3+s7], $0x20, s26, s7, $0xb8;
	[tilespmem:$0x12800] =	vst v63  }
0x83: {  	s28 =	sadd.s32 $0x600, s23  }
0x84: {  	[tilespmem:s14], [sflag:$0x1] =	stream.indirect.gather [hbm4b:s3+s7], $0x20, s28, s7, $0xb8;
	[tilespmem:$0x12800] =	vst v63  }
0x85: {  	s29 =	sadd.s32 $0x680, s23  }
0x86: {  	[tilespmem:s15], [sflag:$0x1] =	stream.indirect.gather [hbm4b:s3+s7], $0x20, s29, s7, $0xb8;
	[tilespmem:$0x12800] =	vst v63  }
0x87: {  	s30 =	sadd.s32 $0x700, s23  }
0x88: {  	[tilespmem:s16], [sflag:$0x1] =	stream.indirect.gather [hbm4b:s3+s7], $0x20, s30, s7, $0xb8;
	[tilespmem:$0x12800] =	vst v63  }
0x89: {  	s23 =	sadd.s32 $0x780, s23  }
0x8a: {  	[tilespmem:s17], [sflag:$0x1] =	stream.indirect.gather [hbm4b:s3+s7], $0x20, s23, s7, $0xb8;
	[tilespmem:$0x12800] =	vst v63  }
0x8b: {  	_ =	swait.ge [sflag:s18], $0x1000  }
0x8c: {  	[sflag:s18] =	ssyncset.done $0x0  }
0x8d: {  	[sflag:s18] =	ssyncadd.s32 $0xFFFFF000  }
0x8e: {  	_ =	swait.ge [sflag:s18], $0x1000  }
0x8f: {  	[sflag:s18] =	ssyncset.done $0x0  }
0x90: {  	[sflag:s18] =	ssyncadd.s32 $0xFFFFF000  }
0x91: {  	_ =	swait.ge [sflag:s18], $0x1000  }
0x92: {  	[sflag:s18] =	ssyncset.done $0x0  }
0x93: {  	[sflag:s18] =	ssyncadd.s32 $0xFFFFF000  }
0x94: {  	_ =	swait.ge [sflag:s18], $0x1000  }
0x95: {  	[sflag:s18] =	ssyncset.done $0x0  }
0x96: {  	[sflag:s18] =	ssyncadd.s32 $0xFFFFF000  }
0x97: {  	_ =	swait.ge [sflag:s18], $0x1000  }
0x98: {  	[sflag:s18] =	ssyncset.done $0x0  }
0x99: {  	[sflag:s18] =	ssyncadd.s32 $0xFFFFF000  }
0x9a: {  	_ =	swait.ge [sflag:s18], $0x1000  }
0x9b: {  	[sflag:s18] =	ssyncset.done $0x0  }
0x9c: {  	[sflag:s18] =	ssyncadd.s32 $0xFFFFF000  }
0x9d: {  	_ =	swait.ge [sflag:s18], $0x1000  }
0x9e: {  	[sflag:s18] =	ssyncset.done $0x0  }
0x9f: {  	[sflag:s18] =	ssyncadd.s32 $0xFFFFF000  }
0xa0: {  	_ =	swait.ge [sflag:s18], $0x1000  }
0xa1: {  	[sflag:s18] =	ssyncset.done $0x0  }
0xa2: {  	[sflag:s18] =	ssyncadd.s32 $0xFFFFF000  }
0xa3: {  	_ =	swait.ge [sflag:s18], $0x1000  }
0xa4: {  	[sflag:s18] =	ssyncset.done $0x0  }
0xa5: {  	[sflag:s18] =	ssyncadd.s32 $0xFFFFF000  }
0xa6: {  	_ =	swait.ge [sflag:s18], $0x1000  }
0xa7: {  	[sflag:s18] =	ssyncset.done $0x0  }
0xa8: {  	[sflag:s18] =	ssyncadd.s32 $0xFFFFF000  }
0xa9: {  	_ =	swait.ge [sflag:s18], $0x1000  }
0xaa: {  	[sflag:s18] =	ssyncset.done $0x0  }
0xab: {  	[sflag:s18] =	ssyncadd.s32 $0xFFFFF000  }
0xac: {  	_ =	swait.ge [sflag:s18], $0x1000  }
0xad: {  	[sflag:s18] =	ssyncset.done $0x0  }
0xae: {  	[sflag:s18] =	ssyncadd.s32 $0xFFFFF000  }
0xaf: {  	_ =	swait.ge [sflag:s18], $0x1000  }
0xb0: {  	[sflag:s18] =	ssyncset.done $0x0  }
0xb1: {  	[sflag:s18] =	ssyncadd.s32 $0xFFFFF000  }
0xb2: {  	_ =	swait.ge [sflag:s18], $0x1000  }
0xb3: {  	[sflag:s18] =	ssyncset.done $0x0  }
0xb4: {  	[sflag:s18] =	ssyncadd.s32 $0xFFFFF000  }
0xb5: {  	_ =	swait.ge [sflag:s18], $0x1000  }
0xb6: {  	[sflag:s18] =	ssyncset.done $0x0  }
0xb7: {  	[sflag:s18] =	ssyncadd.s32 $0xFFFFF000  }
0xb8: {  	_ =	swait.ge [sflag:s18], $0x1000  }
.Ltmp0:
0xb9: {  	s31 =	rddreg [dreg:$0x4];
	[sflag:s18] =	ssyncset.done $0x0;
	(pc) =	sbr.rel @p0 .LBB2_2-.Ltmp0, $4  }
0xba: {  	[sflag:s18] =	ssyncadd.s32 $0xFFFFF000;
	s23 =	sadd.s32 s20, s31  }
0xbb: {  	[hbm4b:s23+s2] =	stream.linear.scatter [tilespmem:s8], [sflag:$0x2], $0x10000, $0x38;
	[tilespmem:$0x12800] =	vst v63  }
0xbc: {  	s25 =	smov.u32 s21;
	_ =	swait.ge [sflag:s6], $0x10000  }
0xbd: {  	s20 =	smov.u32 s22;
	s24 =	rddreg [dreg:$0x6];
	[sflag:s6] =	ssyncset.done $0x0  }
0xbe: {  	s21 =	sshra.s32 s20, $0x2;
	[sflag:s6] =	ssyncadd.s32 $0xFFFF0000  }
0xbf: {  	[tilespmem:s8], [sflag:$0x1] =	stream.indirect.gather [hbm4b:s3+s7], $0x20, s21, s7, $0xb8;
	[tilespmem:$0x12800] =	vst v63  }
0xc0: {  	s22 =	rddreg [dreg:$0x5];
	s23 =	sadd.s32 $0x80, s21  }
0xc1: {  	[tilespmem:s22], [sflag:$0x1] =	stream.indirect.gather [hbm4b:s3+s7], $0x20, s23, s7, $0xb8;
	[tilespmem:$0x12800] =	vst v63  }
0xc2: {  	s26 =	sadd.s32 $0x100, s21  }
0xc3: {  	[tilespmem:s24], [sflag:$0x1] =	stream.indirect.gather [hbm4b:s3+s7], $0x20, s26, s7, $0xb8;
	[tilespmem:$0x12800] =	vst v63  }
0xc4: {  	s28 =	rddreg [dreg:$0x7];
	s29 =	sadd.s32 $0x180, s21  }
0xc5: {  	[tilespmem:s28], [sflag:$0x1] =	stream.indirect.gather [hbm4b:s3+s7], $0x20, s29, s7, $0xb8;
	[tilespmem:$0x12800] =	vst v63  }
0xc6: {  	s30 =	rddreg [dreg:$0x8];
	s25 =	sadd.s32 $0x200, s21  }
0xc7: {  	[tilespmem:s30], [sflag:$0x1] =	stream.indirect.gather [hbm4b:s3+s7], $0x20, s25, s7, $0xb8;
	[tilespmem:$0x12800] =	vst v63  }
0xc8: {  	s31 =	rddreg [dreg:$0x9];
	s26 =	sadd.s32 $0x280, s21  }
0xc9: {  	[tilespmem:s31], [sflag:$0x1] =	stream.indirect.gather [hbm4b:s3+s7], $0x20, s26, s7, $0xb8;
	[tilespmem:$0x12800] =	vst v63  }
0xca: {  	s28 =	rddreg [dreg:$0xa];
	s29 =	sadd.s32 $0x300, s21  }
0xcb: {  	[tilespmem:s28], [sflag:$0x1] =	stream.indirect.gather [hbm4b:s3+s7], $0x20, s29, s7, $0xb8;
	[tilespmem:$0x12800] =	vst v63  }
0xcc: {  	s30 =	sadd.s32 $0x380, s21  }
0xcd: {  	[tilespmem:s9], [sflag:$0x1] =	stream.indirect.gather [hbm4b:s3+s7], $0x20, s30, s7, $0xb8;
	[tilespmem:$0x12800] =	vst v63  }
0xce: {  	s31 =	sadd.s32 $0x400, s21  }
0xcf: {  	[tilespmem:s10], [sflag:$0x1] =	stream.indirect.gather [hbm4b:s3+s7], $0x20, s31, s7, $0xb8;
	[tilespmem:$0x12800] =	vst v63  }
0xd0: {  	s23 =	sadd.s32 $0x480, s21  }
0xd1: {  	[tilespmem:s11], [sflag:$0x1] =	stream.indirect.gather [hbm4b:s3+s7], $0x20, s23, s7, $0xb8;
	[tilespmem:$0x12800] =	vst v63  }
0xd2: {  	s24 =	sadd.s32 $0x500, s21  }
0xd3: {  	[tilespmem:s12], [sflag:$0x1] =	stream.indirect.gather [hbm4b:s3+s7], $0x20, s24, s7, $0xb8;
	[tilespmem:$0x12800] =	vst v63  }
0xd4: {  	s25 =	sadd.s32 $0x580, s21  }
0xd5: {  	[tilespmem:s13], [sflag:$0x1] =	stream.indirect.gather [hbm4b:s3+s7], $0x20, s25, s7, $0xb8;
	[tilespmem:$0x12800] =	vst v63  }
0xd6: {  	s26 =	sadd.s32 $0x600, s21  }
0xd7: {  	[tilespmem:s14], [sflag:$0x1] =	stream.indirect.gather [hbm4b:s3+s7], $0x20, s26, s7, $0xb8;
	[tilespmem:$0x12800] =	vst v63  }
0xd8: {  	s28 =	sadd.s32 $0x680, s21  }
0xd9: {  	[tilespmem:s15], [sflag:$0x1] =	stream.indirect.gather [hbm4b:s3+s7], $0x20, s28, s7, $0xb8;
	[tilespmem:$0x12800] =	vst v63  }
0xda: {  	s29 =	sadd.s32 $0x700, s21  }
0xdb: {  	[tilespmem:s16], [sflag:$0x1] =	stream.indirect.gather [hbm4b:s3+s7], $0x20, s29, s7, $0xb8;
	[tilespmem:$0x12800] =	vst v63  }
0xdc: {  	s21 =	sadd.s32 $0x780, s21  }
0xdd: {  	[tilespmem:s17], [sflag:$0x1] =	stream.indirect.gather [hbm4b:s3+s7], $0x20, s21, s7, $0xb8;
	[tilespmem:$0x12800] =	vst v63  }
0xde: {  	_ =	swait.ge [sflag:s18], $0x1000  }
0xdf: {  	[sflag:s18] =	ssyncset.done $0x0  }
0xe0: {  	[sflag:s18] =	ssyncadd.s32 $0xFFFFF000  }
0xe1: {  	_ =	swait.ge [sflag:s18], $0x1000  }
0xe2: {  	[sflag:s18] =	ssyncset.done $0x0  }
0xe3: {  	[sflag:s18] =	ssyncadd.s32 $0xFFFFF000  }
0xe4: {  	_ =	swait.ge [sflag:s18], $0x1000  }
0xe5: {  	[sflag:s18] =	ssyncset.done $0x0  }
0xe6: {  	[sflag:s18] =	ssyncadd.s32 $0xFFFFF000  }
0xe7: {  	_ =	swait.ge [sflag:s18], $0x1000  }
0xe8: {  	[sflag:s18] =	ssyncset.done $0x0  }
0xe9: {  	[sflag:s18] =	ssyncadd.s32 $0xFFFFF000  }
0xea: {  	_ =	swait.ge [sflag:s18], $0x1000  }
0xeb: {  	[sflag:s18] =	ssyncset.done $0x0  }
0xec: {  	[sflag:s18] =	ssyncadd.s32 $0xFFFFF000  }
0xed: {  	_ =	swait.ge [sflag:s18], $0x1000  }
0xee: {  	[sflag:s18] =	ssyncset.done $0x0  }
0xef: {  	[sflag:s18] =	ssyncadd.s32 $0xFFFFF000  }
0xf0: {  	_ =	swait.ge [sflag:s18], $0x1000  }
0xf1: {  	[sflag:s18] =	ssyncset.done $0x0  }
0xf2: {  	[sflag:s18] =	ssyncadd.s32 $0xFFFFF000  }
0xf3: {  	_ =	swait.ge [sflag:s18], $0x1000  }
0xf4: {  	[sflag:s18] =	ssyncset.done $0x0  }
0xf5: {  	[sflag:s18] =	ssyncadd.s32 $0xFFFFF000  }
0xf6: {  	_ =	swait.ge [sflag:s18], $0x1000  }
0xf7: {  	[sflag:s18] =	ssyncset.done $0x0  }
0xf8: {  	[sflag:s18] =	ssyncadd.s32 $0xFFFFF000  }
0xf9: {  	_ =	swait.ge [sflag:s18], $0x1000  }
0xfa: {  	[sflag:s18] =	ssyncset.done $0x0  }
0xfb: {  	[sflag:s18] =	ssyncadd.s32 $0xFFFFF000  }
0xfc: {  	_ =	swait.ge [sflag:s18], $0x1000  }
0xfd: {  	[sflag:s18] =	ssyncset.done $0x0  }
0xfe: {  	[sflag:s18] =	ssyncadd.s32 $0xFFFFF000  }
0xff: {  	_ =	swait.ge [sflag:s18], $0x1000  }
0x100: {  	[sflag:s18] =	ssyncset.done $0x0  }
0x101: {  	[sflag:s18] =	ssyncadd.s32 $0xFFFFF000  }
0x102: {  	_ =	swait.ge [sflag:s18], $0x1000  }
0x103: {  	[sflag:s18] =	ssyncset.done $0x0  }
0x104: {  	[sflag:s18] =	ssyncadd.s32 $0xFFFFF000  }
0x105: {  	_ =	swait.ge [sflag:s18], $0x1000  }
0x106: {  	[sflag:s18] =	ssyncset.done $0x0  }
0x107: {  	[sflag:s18] =	ssyncadd.s32 $0xFFFFF000  }
0x108: {  	_ =	swait.ge [sflag:s18], $0x1000  }
0x109: {  	[sflag:s18] =	ssyncset.done $0x0  }
0x10a: {  	[sflag:s18] =	ssyncadd.s32 $0xFFFFF000  }
0x10b: {  	s19 =	sadd.s32 $0x1, s19;
	_ =	swait.ge [sflag:s18], $0x1000  }
0x10c: {  	p0 =	sne.s32 s19, s5;
	s30 =	rddreg [dreg:$0x4];
	[sflag:s18] =	ssyncset.done $0x0  }
.Ltmp1:
0x10d: {  	[sflag:s18] =	ssyncadd.s32 $0xFFFFF000;
	s31 =	sadd.s32 s20, s30;
	(pc) =	sbr.rel @p0 .LBB2_1-.Ltmp1, $4  }
0x10e: {  	[hbm4b:s31+s2] =	stream.linear.scatter [tilespmem:s8], [sflag:$0x2], $0x10000, $0x38;
	[tilespmem:$0x12800] =	vst v63  }
0x10f: {  	_ =	swait.ge [sflag:s6], $0x10000  }
0x110: {  	[sflag:s6] =	ssyncset.done $0x0  }
0x111: {  	[sflag:s6] =	ssyncadd.s32 $0xFFFF0000  }
0x112: {  	_ =	sfence.sel $0x180000  }
0x113: {  	[bflag:$0x0] =	sbarrier.arrive $0xFFFF  }
0x114: {  	p0 =	sne.s32 s1, $0x0;
	_ =	strace $0x90000047  }
0x115: {  	s0 =	sadd.s32 @!p0 $0x100000, s0;
	[bflag:$0x2] =	sbarrier.arrive $0xFFFF  }
0x116: {  	[sflag:s0] =	ssyncadd.tile.s32 @!p0 $0x1;
	_ =	shalt  }
.Lfunc_end2:
_tile_overlayer_lowered:
.L_overlay_start_2:
0x117: {  	(tag) =	ssettag $0x2  }
0x118: {  	s0 =	rddreg [dreg:$0x0];
	s2 =	stileid.u32  }
0x119: {  	s1 =	rddreg [dreg:$0x1];
	p0 =	sne.s32 s2, $0x0  }
0x11a: {  	s3 =	rddreg [dreg:$0x2];
	[bflag:$0x3] =	sbarrier.arrive $0xFFFF;
	s2 =	simm.s32 @!p0 $0x1C02  }
0x11b: {  	[timem:s3], [sflag:s2] =	dma.local @!p0 [hbm:s0], s1  }
0x11c: {  	s0 =	simm.s32 @!p0 $0x2  }
0x11d: {  	_ =	swait.ge @!p0 [sflag:s0], s1  }
0x11e: {  	s1 =	ssub.s32 @!p0 $0x0, s1;
	[sflag:s0] =	ssyncset.done @!p0 $0x0  }
0x11f: {  	[sflag:s0] =	ssyncadd.s32 @!p0 s1  }
0x120: {  	[bflag:$0x3] =	sbarrier.arrive $0xFFFF  }
0x121: {  	_ =	shalt  }

// kernel: sparse-core-data-format-call.cloned.1.call-start
scs
called_computation_lowered:
.L_overlay_start_0:
0x0: {  	s2 =	sld [smem:$0x3FD9]  }
0x1: {  	s3 =	sld [smem:$0x3FFE];
	_ =	sdelay $0x1  }
0x2: {  	s1 =	srdreg.scid  }
0x3: {  	s0 =	sand.u32 $0x1, s1  }
0x4: {  	s18 =	sshll.u32 s0, $0xA;
	s2 =	sadd.s32 s3, s2  }
0x5: {  	s2 =	sadd.s32 s2, s18  }
0x6: {  	[smem:$0x3FC6] =	sst s2  }
0x7: {  	_ = 	snop  }
0x8: {  	s2 =	sld [smem:$0x3FD0];
	(tm) =	ssettm $0x1  }
0x9: {  	s19 =	sld [smem:$0x3FFB];
	_ =	sdelay $0x3  }
0xa: {  	_ =	strace s19  }
0xb: {  	s3 =	sld [smem:$0x3FFC];
	_ =	sdelay $0x3  }
0xc: {  	_ =	strace s3  }
0xd: {  	s3 =	sld [smem:$0x3FFD];
	_ =	sdelay $0x3  }
0xe: {  	_ =	strace s3  }
0xf: {  	_ =	strace $0x8FFFFFFF  }
0x10: {  	s20 =	sld [smem:$0x3FDB];
	_ =	sdelay $0x1  }
0x11: {  	s4 =	simm.s32 $_scs_section_size  }
0x12: {  	s5 =	simm.s32 $_size__tile_overlayer_lowered;
	s6 =	simm.s32 $_tile_overlayer_lowered  }
0x13: {  	s23 =	simm.s32 $0x1BFF;
	s22 =	sshll.u32 s6, $0x1;
	s3 =	sadd.s32 s4, s20  }
0x14: {  	s7 =	simm.s32 $0x0;
	s21 =	sshll.u32 s5, $0x1;
	s5 =	sadd.s32 s22, s3  }
0x15: {  	[timem:s7], [sflag:s23] =	dma.local [hbm:s5], s21  }
0x16: {  	_ =	swait.ge [sflag:s23], s21  }
0x17: {  	s4 =	ssub.s32 $0x0, s21;
	[sflag:s23] =	ssyncset.done $0x0  }
0x18: {  	[sflag:s23] =	ssyncadd.s32 s4;
	_ =	sdelay $0x1  }
0x19: {  	s24 =	simm.s32 $0x1B8B  }
0x1a: {  	_ =	swait.ge [sflag:s24], $0x1  }
0x1b: {  	[sflag:s24] =	ssyncset.done $0x0  }
0x1c: {  	s26 =	simm.s32 $0x1B8E;
	s25 =	sld [smem:$0x3FFE];
	[sflag:s24] =	ssyncadd.s32 $0xFFFFFFFF  }
0x1d: {  	s27 =	simm.s32 $execute0_lowered;
	[smem:$0x3FD2] =	sst s26  }
0x1e: {  	s5 =	sshll.u32 s27, $0x1;
	_ =	strace $0x80000049;
	[dreg:$0x1] =	wrdreg $0xFFFFFFFF  }
0x1f: {  	s28 =	simm.s32 $_size_execute0_lowered;
	s3 =	sadd.s32 s3, s5;
	[dreg:$0x0] =	wrdreg $0x0  }
0x20: {  	s5 =	sshll.u32 s28, $0x1;
	[dreg:$0x2] =	wrdreg s3  }
0x21: {  	[dreg:$0x3] =	wrdreg s5  }
0x22: {  	[dreg:$0x4] =	wrdreg $0xC0  }
0x23: {  	_ =	task [dreg:s7], $0x5FFFF  }
0x24: {  	[dreg:$0x1] =	wrdreg $0xFFFFFFFF  }
0x25: {  	[dreg:$0x0] =	wrdreg $0x60  }
0x26: {  	[dreg:$0x2] =	wrdreg s25  }
0x27: {  	[dreg:$0x3] =	wrdreg s2  }
0x28: {  	[dreg:$0x4] =	wrdreg $0x9  }
0x29: {  	_ =	task.clear_ibuf [dreg:s7], $0x5FFFF;
	_ =	strace $0x90000049  }
0x2a: {  	s29 =	simm.s32 $0x9;
	_ =	strace $0x8000004B  }
0x2b: {  	_ =	swait.ge [sflag:s29], $0x1  }
0x2c: {  	[sflag:s29] =	ssyncadd.s32 $0xFFFFFFFF  }
0x2d: {  	_ =	strace $0x9000004B  }
0x2e: {  	_ =	sfence  }
0x2f: {  	s30 =	sld [smem:$0x0];
	_ =	sdelay $0x2  }
0x30: {  	s31 =	sshll.u32 s1, $0xD;
	s1 =	sshrl.u32 s1, $0x2  }
0x31: {  	s3 =	sand.u32 $0x4000, s31;
	s1 =	sadd.s32 s1, s30  }
0x32: {  	s0 =	sor.u32 s3, s0;
	s1 =	sshll.u32 s1, $0x11  }
0x33: {  	s0 =	sor.u32 s1, s0  }
0x34: {  	s0 =	sadd.s32 $0x8F2B, s0  }
0x35: {  	[sflag:s0] =	ssyncadd.remote.s32 $0x1  }
0x36: {  	_ =	sfence.sel $0xFFFF  }
0x37: {  	[dreg:$0x0] =	wrdreg $0xFFFFFFFF;
	(pc) =	sbr.abs _section_cstart, $3  }
0x38: {  	[dreg:$0x1] =	wrdreg $0xFFFFFFFF  }
0x39: {  	_ =	task.clear_ibuf [dreg:s7], $0x2FFFF;
	_ =	strace $0x9FFFFFFF  }
0x3a: {  	(tm) =	ssettm $0x7FFFFFFF  }
0x3b: {  	_ =	shalt  }
tec
execute0_lowered:
.L_overlay_start_1:
0x0: {  	(tag) =	ssettag $0x1  }
0x1: {  	s1 =	rddreg [dreg:$0x0]  }
0x2: {  	s2 =	rddreg [dreg:$0x1]  }
0x3: {  	s0 =	rddreg [dreg:$0x2]  }
0x4: {  	s4 =	srdreg.scid;
	_ =	strace $0x8000004A;
	s6 =	simm.s32 $0x2  }
0x5: {  	s11 =	simm.s32 $0x0;
	p0 =	por $0x0, $0x0;
	s12 =	simm.s32 $0x0  }
.Ltmp0:
0x6: {  	s13 =	simm.s32 $0x0;
	s8 =	simm.s32 $0x0;
	(pc) =	sbr.rel .LBB1_1-.Ltmp0, $4  }
0x7: {  	s9 =	simm.s32 $0x0;
	s3 =	sadd.s32 $0x800, s1;
	s4 =	sshll.u32 s4, $0x4  }
0x8: {  	s1 =	stileid.u32;
	s5 =	sand.u32 $0x10, s4;
	s4 =	simm.s32 $0x1  }
0x9: {  	s7 =	simm.s32 $0x0;
	s5 =	sor.u32 s1, s5;
	[sflag:s4] =	ssyncpa.u1 $0x0  }
0xa: {  	[sflag:s6] =	ssyncpa.u1 $0x0;
	s6 =	simm.s32 $0x4000;
	s10 =	smov.u32 s5  }
.LBB1_5:
0xb: {  	s14 =	sadd.s32 $0x80, s8  }
0xc: {  	s11 =	simm.s32 $0x1;
	p2 =	sgt.s32 s14, $0x7FF  }
0xd: {  	s11 =	simm.s32 @!p2 $0x0  }
0xe: {  	s15 =	sadd.s32 s11, s9  }
0xf: {  	s17 =	smov.u32 s10;
	s11 =	sadd.s32 $0x20, s10;
	p3 =	sgt.s32 s15, $0x4  }
0x10: {  	p1 =	slt.u32 s7, $0x2;
	s17 =	smov.u32 @p3 s11  }
0x11: {  	s7 =	sadd.s32 $0x1, s7;
	s14 =	simm.s32 @p2 $0x0;
	p2 =	sgt.s32 s17, $0x1F  }
0x12: {  	s17 =	smov.u32 @p2 s5;
	p2 =	sne.s32 s7, $0x52  }
.Ltmp1:
0x13: {  	s16 =	simm.s32 @!p1 $0x2;
	(pc) =	sbr.rel @!p2 .LBB1_6-.Ltmp1, $4  }
0x14: {  	s12 =	smov.u32 s9;
	_ =	swait.ge @!p1 [sflag:s16], $0x1000  }
0x15: {  	s13 =	smov.u32 s10;
	p0 =	por !p0, !p0;
	[sflag:s16] =	ssyncset.done @!p1 $0x0  }
0x16: {  	[sflag:s16] =	ssyncadd.s32 @!p1 $0xFFFFF000;
	s15 =	simm.s32 @p3 $0x0;
	s11 =	smov.u32 s8  }
0x17: {  	s8 =	smov.u32 s14;
	s9 =	smov.u32 s15;
	s10 =	smov.u32 s17  }
.LBB1_1:
0x18: {  	p1 =	sgt.u32 s7, $0x4F  }
0x19: {  	s15 =	smul.u32 @!p1 $0x28000, s10  }
0x1a: {  	s14 =	sxor.u32 @!p1 $0xFFFFFFFF, s7;
	s16 =	sshll.u32 @!p1 s9, $0xF  }
0x1b: {  	s17 =	sshll.u32 @!p1 s8, $0x4;
	s14 =	sshll.u32 @!p1 s14, $0xC;
	s15 =	sadd.s32 @!p1 s3, s15  }
0x1c: {  	s17 =	sand.u32 @!p1 $0x7FF0, s17;
	s14 =	sand.u32 @!p1 $0x1000, s14;
	s15 =	sadd.s32 @!p1 s16, s15  }
0x1d: {  	s16 =	simm.s32 @!p1 $0x20;
	s15 =	sadd.s32 @!p1 s17, s15;
	s17 =	simm.s32 @!p1 $0x80  }
0x1e: {  	[tilespmem:s14], [sflag:$0x1] =	stream.strided.gather @!p1 [hbm4b:s15+s16], $0x1000, s17, s16, $0x38;
	[tilespmem:$0x4040] =	vst v63  }
0x1f: {  	p1 =	seq.s32 s7, $0x0  }
0x20: {  	p2 =	seq.s32 @!p1 s7, $0x51  }
0x21: {  	p1 =	por p1, p2  }
.Ltmp2:
0x22: {  	_ = 	snop;
	(pc) =	sbr.rel @p1 .LBB1_5-.Ltmp2, $1  }
0x23: {  	_ =	sdelay $0x3  }
0x24: {  	s14 =	simm.s32 $0x1  }
0x25: {  	_ =	swait.ge [sflag:s4], $0x1000;
	s14 =	simm.s32 @!p0 $0x0  }
0x26: {  	[sflag:s4] =	ssyncset.done $0x0;
	s15 =	sshll.u32 s14, $0xC  }
0x27: {  	[sflag:s4] =	ssyncadd.s32 $0xFFFFF000;
	s18 =	sor.u32 $0x10, s15  }
0x28: {  	s14 =	smul.u32 $0x4080, s14;
	v1 =	vld [tilespmem:s18+$0x0]  }
0x29: {  	s30 =	sand.u32 $0x1, s7;
	v0 =	vld [tilespmem:s18+$0xFFFFFFF0]  }
0x2a: {  	s15 =	smul.u32 $0x4080, s30;
	s14 =	sshrl.u32 s14, $0x2  }
0x2b: {  	s16 =	sor.u32 $0x2000, s14  }
0x2c: {  	s31 =	sshrl.u32 s15, $0x2;
	s15 =	sadd.s32 $0x0, s16  }
0x2d: {  	s17 =	simm.s32 $0x4;
	s18 =	sadd.s32 $0x20, s18;
	s14 =	sor.u32 $0x2000, s31;
	[tilespmem:s15+$0x810 ss:$0x81] =	vst.msk $0xffff, v1  }
.LBB1_3:
0x2e: {  	v1 =	vld [tilespmem:s18+$0x0];
	p1 =	sne.s32 s17, $0x1FC;
	[tilespmem:s15+$0x0 ss:$0x81] =	vst.msk $0xffff, v0;
	s15 =	smov.u32 s17;
	s17 =	sadd.s32 $0x4, s17  }
.Ltmp3:
0x2f: {  	v0 =	vld [tilespmem:s18+$0xFFFFFFF0];
	(pc) =	sbr.rel @p1 .LBB1_3-.Ltmp3, $4  }
0x30: {  	_ = 	snop  }
0x31: {  	s15 =	sshra.s32 s15, $0x2  }
0x32: {  	s15 =	sadd.s32 s15, s16  }
0x33: {  	s18 =	sadd.s32 $0x20, s18;
	[tilespmem:s15+$0x810 ss:$0x81] =	vst.msk $0xffff, v1  }
0x34: {  	s16 =	sshll.u32 s11, $0x3;
	s13 =	smul.u32 $0xA000, s13  }
0x35: {  	s17 =	sand.u32 $0x78, s11;
	s12 =	sshll.u32 s12, $0xD;
	s30 =	sand.u32 $0x1F00, s11  }
.Ltmp4:
0x36: {  	s16 =	sand.u32 $0x400, s16;
	s13 =	sadd.s32 s2, s13;
	(pc) =	sbr.rel .LBB1_5-.Ltmp4, $4  }
0x37: {  	s31 =	sand.u32 $0x7, s11;
	s16 =	sor.u32 s17, s16;
	s12 =	sadd.s32 s12, s13  }
0x38: {  	s11 =	sshll.u32 s31, $0x12;
	s16 =	sshrl.u32 s16, $0x3;
	s12 =	sadd.s32 s30, s12  }
0x39: {  	[tilespmem:s15+$0x0 ss:$0x81] =	vst.msk $0xffff, v0;
	s11 =	sor.u32 $0x400, s11;
	s12 =	sadd.s32 s16, s12  }
0x3a: {  	[hbm4b:s12+s11] =	stream.strided.scatter [tilespmem:s14], [sflag:$0x2], $0x1000, s6, s11, $0x20;
	[tilespmem:$0x4040] =	vst v63  }
.LBB1_6:
0x3b: {  	_ =	sfence.sel $0x180000  }
0x3c: {  	s2 =	simm.s32 $0x1;
	[bflag:$0x0] =	sbarrier.arrive $0xFFFF  }
0x3d: {  	s31 =	simm.s32 $0x2;
	[sflag:s2] =	ssyncpa.u1 $0x1  }
0x3e: {  	[sflag:s31] =	ssyncpa.u1 $0x1  }
0x3f: {  	p0 =	sne.s32 s1, $0x0;
	_ =	strace $0x9000004A  }
0x40: {  	s0 =	sadd.s32 @!p0 $0x100000, s0;
	[bflag:$0x2] =	sbarrier.arrive $0xFFFF  }
0x41: {  	[sflag:s0] =	ssyncadd.tile.s32 @!p0 $0x1;
	_ =	shalt  }
.Lfunc_end1:
_tile_overlayer_lowered:
.L_overlay_start_2:
0x42: {  	(tag) =	ssettag $0x2  }
0x43: {  	s0 =	rddreg [dreg:$0x0];
	s2 =	stileid.u32  }
0x44: {  	s1 =	rddreg [dreg:$0x1];
	p0 =	sne.s32 s2, $0x0  }
0x45: {  	s3 =	rddreg [dreg:$0x2];
	[bflag:$0x3] =	sbarrier.arrive $0xFFFF;
	s2 =	simm.s32 @!p0 $0x1C01  }
0x46: {  	[timem:s3], [sflag:s2] =	dma.local @!p0 [hbm:s0], s1  }
0x47: {  	s0 =	simm.s32 @!p0 $0x1  }
0x48: {  	_ =	swait.ge @!p0 [sflag:s0], s1  }
0x49: {  	s1 =	ssub.s32 @!p0 $0x0, s1;
	[sflag:s0] =	ssyncset.done @!p0 $0x0  }
0x4a: {  	[sflag:s0] =	ssyncadd.s32 @!p0 s1  }
0x4b: {  	[bflag:$0x3] =	sbarrier.arrive $0xFFFF  }
0x4c: {  	_ =	shalt  }

</sc_bundles>
